<compile_context>
chip_gen: v7x
topology: tpu7x:2x2x1
jax: 0.10.2.dev20260603
libtpu: 0.0.44.dev20260713+nightly
codegen_flags: <defaults>
</compile_context>

<pallas_src>
import functools

import jax
import jax.numpy as jnp
from jax import lax
from jax.experimental import pallas as pl
from jax.experimental.pallas import tpu as pltpu
from jax.experimental.pallas import tpu_sc as plsc

NTIME, NBATCH, K = 100, 1024, 128
NT_PAD = 128
NC, NS, L = 2, 16, 16
NW = NC * NS
BCOLS = NBATCH // NW
NG = BCOLS // L
RS = 4 * BCOLS


def _interp_body(times_hbm, values_hbm, t_hbm, out_hbm,
                 times_s, values_s, tab, t_v, out_v, sem1, sem2):
    wid = lax.axis_index("s") * NC + lax.axis_index("c")
    b0 = pl.multiple_of(wid * BCOLS, BCOLS)

    c1 = pltpu.async_copy(times_hbm.at[:, pl.ds(b0, BCOLS)], times_s, sem1)
    c2 = pltpu.async_copy(values_hbm.at[:, pl.ds(b0, BCOLS)], values_s, sem1)
    c3 = pltpu.async_copy(t_hbm.at[:, pl.ds(b0, BCOLS)], t_v, sem2)
    c1.wait()
    c2.wait()

    lane = lax.iota(jnp.int32, L)
    inf16 = jnp.full((L,), jnp.inf, jnp.float32)

    @plsc.parallel_loop(0, NTIME - 1, unroll=4)
    def _tables(i):
        for g in range(NG):
            sl_ = pl.ds(g * L, L)
            ti = times_s[i, sl_]
            ti1 = times_s[i + 1, sl_]
            vi = values_s[i, sl_]
            vi1 = values_s[i + 1, sl_]
            slp = (vi1 - vi) / (ti1 - ti)
            base = i * RS + g * L
            tab[pl.ds(base, L)] = ti
            tab[pl.ds(base + BCOLS, L)] = vi - slp * ti
            tab[pl.ds(base + 2 * BCOLS, L)] = slp

    for g in range(NG):
        sl_ = pl.ds(g * L, L)
        t98 = times_s[NTIME - 2, sl_]
        t99 = times_s[NTIME - 1, sl_]
        v98 = values_s[NTIME - 2, sl_]
        v99 = values_s[NTIME - 1, sl_]
        slp = (v99 - v98) / (t99 - t98)
        base = (NTIME - 1) * RS + g * L
        tab[pl.ds(base, L)] = t99
        tab[pl.ds(base + BCOLS, L)] = v99 - slp * t99
    for r in range(NTIME, NT_PAD):
        for g in range(NG):
            tab[pl.ds(r * RS + g * L, L)] = inf16

    c3.wait()

    def _one_row(k):
        for g in range(NG):
            colg = lane + (g * L)
            tq = t_v[k, pl.ds(g * L, L)]

            tv = plsc.load_gather(tab, [colg + 63 * RS])
            pos = jnp.where(tv <= tq, colg + 63 * RS, colg - RS)
            for s in (32, 16, 8, 4, 2, 1):
                cand = pos + (s * RS)
                tv = plsc.load_gather(tab, [cand])
                pos = jnp.where(tv <= tq, cand, pos)

            iv = jnp.where(pos < colg, colg + (NTIME - 1) * RS, pos)
            isl = jnp.minimum(iv, colg + (NTIME - 2) * RS)
            b_at = plsc.load_gather(tab, [iv + BCOLS])
            sl_at = plsc.load_gather(tab, [isl + 2 * BCOLS])

            out_v[k, pl.ds(g * L, L)] = b_at + sl_at * tq

    @plsc.parallel_loop(0, K, unroll=2)
    def _rows(k):
        _one_row(k)

    pltpu.sync_copy(out_v, out_hbm.at[:, pl.ds(b0, BCOLS)])


@jax.jit
def kernel(times, values, t):
    mesh = plsc.VectorSubcoreMesh(core_axis_name="c", subcore_axis_name="s")
    f = functools.partial(
        pl.kernel,
        out_type=jax.ShapeDtypeStruct((K, NBATCH), jnp.float32),
        mesh=mesh,
        compiler_params=pltpu.CompilerParams(use_tc_tiling_on_sc=False,
                                             needs_layout_passes=False,
                                             disable_bounds_checks=True,
                                             disable_semaphore_checks=True),
        scratch_types=[
            pltpu.VMEM((NTIME, BCOLS), jnp.float32),
            pltpu.VMEM((NTIME, BCOLS), jnp.float32),
            pltpu.VMEM((NT_PAD * RS,), jnp.float32),
            pltpu.VMEM((K, BCOLS), jnp.float32),
            pltpu.VMEM((K, BCOLS), jnp.float32),
            pltpu.SemaphoreType.DMA,
            pltpu.SemaphoreType.DMA,
        ],
    )(_interp_body)
    return f(times, values, t)

# --- scband reference (transcript-rebuilt; emitter-appended) ---
"""Pipeline reference for scband-arbitrary-batch-time-series-interpolator-1322849927844 (READ-ONLY COPY).

The authoritative reference and input builder live on the scoring server;
editing this copy changes nothing except your own understanding.
"""

import jax, jax.numpy as jnp
import numpy as np

NTIME, NBATCH, K = 100, 1024, 128

def setup_inputs(seed: int = 0):
    key = jax.random.key(seed)
    k1, k2, k3 = jax.random.split(key, 3)
    times = jnp.sort(jax.random.uniform(k1, (NTIME, NBATCH), dtype=jnp.float32), axis=0)
    values = jax.random.normal(k2, (NTIME, NBATCH), dtype=jnp.float32)
    t = jax.random.uniform(k3, (K, NBATCH), dtype=jnp.float32)
    return {"times": times, "values": values, "t": t}

def reference(times, values, t):
    ntime = times.shape[0]
    tp = t.T  # (nbatch, K)
    tgt = values.shape + tp.shape[1:]  # (ntime, nbatch, K)
    nexp = len(tgt) - 2
    tt = jnp.broadcast_to(times[(...,) + (None,) * nexp], tgt).reshape(ntime, -1)
    vv = jnp.broadcast_to(values[(...,) + (None,) * nexp], tgt).reshape(ntime, -1)
    slopes = jnp.diff(vv, axis=0) / jnp.diff(tt, axis=0)  # (ntime-1, N)
    tpf = tp.reshape(-1)  # (N,)
    # histogram-style bin assignment: count knots <= query, wrap with remainder
    gi = jnp.remainder(jnp.sum((tt - tpf[None, :]) <= 0, axis=0), ntime)
    cols = jnp.arange(tpf.shape[0])
    # torch negative indexing (gi-1 == -1 wraps to last row) -> explicit modulo per array length
    iv = jnp.remainder(gi - 1, ntime)
    isl = jnp.remainder(gi - 1, ntime - 1)
    # torch.diagonal(v[gi-1]) == v[gi-1, arange(N)] (same math, avoids NxN blowup)
    out = vv[iv, cols] + slopes[isl, cols] * (tpf - tt[iv, cols])
    return out.reshape(tp.shape).T

if __name__ == "__main__":
    import jax
    _d = setup_inputs()
    print(jax.jit(kernel)(*tuple(_d.values())))

</pallas_src>

<mosaic_0001>
#map = affine_map<(d0, d1) -> (0, 0)>
module attributes {stable_mosaic.version = 14 : i64} {
  func.func @_interp_body(%arg0: i32, %arg1: i32, %arg2: memref<100x1024xf32, #tpu.memory_space<hbm>>, %arg3: memref<100x1024xf32, #tpu.memory_space<hbm>>, %arg4: memref<128x1024xf32, #tpu.memory_space<hbm>>, %arg5: memref<128x1024xf32, #tpu.memory_space<hbm>>, %arg6: memref<100x32xf32, #tpu.memory_space<vmem>>, %arg7: memref<100x32xf32, #tpu.memory_space<vmem>>, %arg8: memref<16384xf32, #tpu.memory_space<vmem>>, %arg9: memref<128x32xf32, #tpu.memory_space<vmem>>, %arg10: memref<128x32xf32, #tpu.memory_space<vmem>>, %arg11: memref<!tpu.dma_semaphore, #tpu.memory_space<semaphore_mem>>, %arg12: memref<!tpu.dma_semaphore, #tpu.memory_space<semaphore_mem>>) attributes {dimension_semantics = [#tpu.dimension_semantics<core_parallel>, #tpu.dimension_semantics<subcore_parallel>], iteration_bounds = array<i64: 2, 16>, scalar_prefetch = 0 : i64, scratch_operands = 7 : i64, tpu.core_type = #tpu.core_type<sc_vector_subcore>, window_params = [{transform_indices = #map}, {transform_indices = #map}, {transform_indices = #map}, {transform_indices = #map}]} {
    %mul3A = arith.constant 2 : i32
    %mul3A_0 = arith.muli %arg1, %mul3A : i32
    %add3A = arith.addi %mul3A_0, %arg0 : i32
    %mul3A_1 = arith.constant 32 : i32
    %mul3A_2 = arith.muli %add3A, %mul3A_1 : i32
    %multiple_of3A = tpu.assume_multiple %mul3A_2, 32 : i32
    %dma_start3A = arith.constant 0 : i32
    %dma_start3A_3 = tpu.memref_slice %arg2[%dma_start3A, %multiple_of3A] : memref<100x1024xf32, #tpu.memory_space<hbm>> -> memref<100x32xf32, #tpu.memory_space<hbm>>
    %dma_start3A_4 = arith.constant 0 : i32
    %dma_start3A_5 = tpu.memref_slice %arg2[%dma_start3A_4, %multiple_of3A] : memref<100x1024xf32, #tpu.memory_space<hbm>> -> memref<100x32xf32, #tpu.memory_space<hbm>>
    tpu.enqueue_dma source(%dma_start3A_5 : memref<100x32xf32, #tpu.memory_space<hbm>>) target(%arg6 : memref<100x32xf32, #tpu.memory_space<vmem>>) target_semaphore(%arg11 : memref<!tpu.dma_semaphore, #tpu.memory_space<semaphore_mem>>)
    %dma_start3A_6 = arith.constant 0 : i32
    %dma_start3A_7 = tpu.memref_slice %arg3[%dma_start3A_6, %multiple_of3A] : memref<100x1024xf32, #tpu.memory_space<hbm>> -> memref<100x32xf32, #tpu.memory_space<hbm>>
    %dma_start3A_8 = arith.constant 0 : i32
    %dma_start3A_9 = tpu.memref_slice %arg3[%dma_start3A_8, %multiple_of3A] : memref<100x1024xf32, #tpu.memory_space<hbm>> -> memref<100x32xf32, #tpu.memory_space<hbm>>
    tpu.enqueue_dma source(%dma_start3A_9 : memref<100x32xf32, #tpu.memory_space<hbm>>) target(%arg7 : memref<100x32xf32, #tpu.memory_space<vmem>>) target_semaphore(%arg11 : memref<!tpu.dma_semaphore, #tpu.memory_space<semaphore_mem>>)
    %dma_start3A_10 = arith.constant 0 : i32
    %dma_start3A_11 = tpu.memref_slice %arg4[%dma_start3A_10, %multiple_of3A] : memref<128x1024xf32, #tpu.memory_space<hbm>> -> memref<128x32xf32, #tpu.memory_space<hbm>>
    %dma_start3A_12 = arith.constant 0 : i32
    %dma_start3A_13 = tpu.memref_slice %arg4[%dma_start3A_12, %multiple_of3A] : memref<128x1024xf32, #tpu.memory_space<hbm>> -> memref<128x32xf32, #tpu.memory_space<hbm>>
    tpu.enqueue_dma source(%dma_start3A_13 : memref<128x32xf32, #tpu.memory_space<hbm>>) target(%arg9 : memref<128x32xf32, #tpu.memory_space<vmem>>) target_semaphore(%arg12 : memref<!tpu.dma_semaphore, #tpu.memory_space<semaphore_mem>>)
    %dma_wait3A = arith.constant 0 : i32
    %dma_wait3A_14 = tpu.memref_slice %arg2[%dma_wait3A, %multiple_of3A] : memref<100x1024xf32, #tpu.memory_space<hbm>> -> memref<100x32xf32, #tpu.memory_space<hbm>>
    %dma_wait3A_15 = arith.constant 0 : i32
    %dma_wait3A_16 = tpu.memref_slice %arg2[%dma_wait3A_15, %multiple_of3A] : memref<100x1024xf32, #tpu.memory_space<hbm>> -> memref<100x32xf32, #tpu.memory_space<hbm>>
    tpu.wait_dma2 semaphore(%arg11 : memref<!tpu.dma_semaphore, #tpu.memory_space<semaphore_mem>>) src(%dma_wait3A_16 : memref<100x32xf32, #tpu.memory_space<hbm>>) dst(%arg6 : memref<100x32xf32, #tpu.memory_space<vmem>>)
    %dma_wait3A_17 = arith.constant 0 : i32
    %dma_wait3A_18 = tpu.memref_slice %arg3[%dma_wait3A_17, %multiple_of3A] : memref<100x1024xf32, #tpu.memory_space<hbm>> -> memref<100x32xf32, #tpu.memory_space<hbm>>
    %dma_wait3A_19 = arith.constant 0 : i32
    %dma_wait3A_20 = tpu.memref_slice %arg3[%dma_wait3A_19, %multiple_of3A] : memref<100x1024xf32, #tpu.memory_space<hbm>> -> memref<100x32xf32, #tpu.memory_space<hbm>>
    tpu.wait_dma2 semaphore(%arg11 : memref<!tpu.dma_semaphore, #tpu.memory_space<semaphore_mem>>) src(%dma_wait3A_20 : memref<100x32xf32, #tpu.memory_space<hbm>>) dst(%arg7 : memref<100x32xf32, #tpu.memory_space<vmem>>)
    %iota3A = tpu.iota {dimensions = array<i32: 0>} : vector<16xi32>
    %broadcast_in_dim3A = arith.constant 0x7F800000 : f32
    %broadcast_in_dim3A_21 = vector.broadcast %broadcast_in_dim3A : f32 to vector<16xf32>
    %parallel_loop3A = arith.constant 0 : i32
    %parallel_loop3A_22 = arith.constant 99 : i32
    %parallel_loop3A_23 = arith.constant 1 : i32
    scf.for %parallel_loop3A_189 = %parallel_loop3A to %parallel_loop3A_22 step %parallel_loop3A_23  : i32 {
      %parallel_loop3A_190 = arith.index_cast %parallel_loop3A_189 : i32 to index
      %parallel_loop3A_191 = arith.constant 0 : index
      %parallel_loop3A_192 = tpu.vector_load %arg6[%parallel_loop3A_190, %parallel_loop3A_191] {strides = array<i32>} : memref<100x32xf32, #tpu.memory_space<vmem>>, vector<16xf32>,
      %parallel_loop3A_193 = arith.constant 1 : i32
      %parallel_loop3A_194 = arith.addi %parallel_loop3A_189, %parallel_loop3A_193 : i32
      %parallel_loop3A_195 = arith.index_cast %parallel_loop3A_194 : i32 to index
      %parallel_loop3A_196 = arith.constant 0 : index
      %parallel_loop3A_197 = tpu.vector_load %arg6[%parallel_loop3A_195, %parallel_loop3A_196] {strides = array<i32>} : memref<100x32xf32, #tpu.memory_space<vmem>>, vector<16xf32>,
      %parallel_loop3A_198 = arith.index_cast %parallel_loop3A_189 : i32 to index
      %parallel_loop3A_199 = arith.constant 0 : index
      %parallel_loop3A_200 = tpu.vector_load %arg7[%parallel_loop3A_198, %parallel_loop3A_199] {strides = array<i32>} : memref<100x32xf32, #tpu.memory_space<vmem>>, vector<16xf32>,
      %parallel_loop3A_201 = arith.constant 1 : i32
      %parallel_loop3A_202 = arith.addi %parallel_loop3A_189, %parallel_loop3A_201 : i32
      %parallel_loop3A_203 = arith.index_cast %parallel_loop3A_202 : i32 to index
      %parallel_loop3A_204 = arith.constant 0 : index
      %parallel_loop3A_205 = tpu.vector_load %arg7[%parallel_loop3A_203, %parallel_loop3A_204] {strides = array<i32>} : memref<100x32xf32, #tpu.memory_space<vmem>>, vector<16xf32>,
      %parallel_loop3A_206 = arith.subf %parallel_loop3A_205, %parallel_loop3A_200 : vector<16xf32>
      %parallel_loop3A_207 = arith.subf %parallel_loop3A_197, %parallel_loop3A_192 : vector<16xf32>
      %parallel_loop3A_208 = arith.divf %parallel_loop3A_206, %parallel_loop3A_207 : vector<16xf32>
      %parallel_loop3A_209 = arith.constant 128 : i32
      %parallel_loop3A_210 = arith.muli %parallel_loop3A_189, %parallel_loop3A_209 : i32
      %parallel_loop3A_211 = arith.constant 0 : i32
      %parallel_loop3A_212 = arith.addi %parallel_loop3A_210, %parallel_loop3A_211 : i32
      %parallel_loop3A_213 = arith.index_cast %parallel_loop3A_212 : i32 to index
      %parallel_loop3A_214 = tpu.vector_load %arg8[%parallel_loop3A_213] {strides = array<i32>} : memref<16384xf32, #tpu.memory_space<vmem>>, vector<16xf32>,
      tpu.vector_store %arg8[%parallel_loop3A_213], %parallel_loop3A_192 {strides = array<i32>} : memref<16384xf32, #tpu.memory_space<vmem>>, vector<16xf32>,
      %parallel_loop3A_215 = arith.mulf %parallel_loop3A_208, %parallel_loop3A_192 : vector<16xf32>
      %parallel_loop3A_216 = arith.subf %parallel_loop3A_200, %parallel_loop3A_215 : vector<16xf32>
      %parallel_loop3A_217 = arith.constant 32 : i32
      %parallel_loop3A_218 = arith.addi %parallel_loop3A_212, %parallel_loop3A_217 : i32
      %parallel_loop3A_219 = arith.index_cast %parallel_loop3A_218 : i32 to index
      %parallel_loop3A_220 = tpu.vector_load %arg8[%parallel_loop3A_219] {strides = array<i32>} : memref<16384xf32, #tpu.memory_space<vmem>>, vector<16xf32>,
      tpu.vector_store %arg8[%parallel_loop3A_219], %parallel_loop3A_216 {strides = array<i32>} : memref<16384xf32, #tpu.memory_space<vmem>>, vector<16xf32>,
      %parallel_loop3A_221 = arith.constant 64 : i32
      %parallel_loop3A_222 = arith.addi %parallel_loop3A_212, %parallel_loop3A_221 : i32
      %parallel_loop3A_223 = arith.index_cast %parallel_loop3A_222 : i32 to index
      %parallel_loop3A_224 = tpu.vector_load %arg8[%parallel_loop3A_223] {strides = array<i32>} : memref<16384xf32, #tpu.memory_space<vmem>>, vector<16xf32>,
      tpu.vector_store %arg8[%parallel_loop3A_223], %parallel_loop3A_208 {strides = array<i32>} : memref<16384xf32, #tpu.memory_space<vmem>>, vector<16xf32>,
      %parallel_loop3A_225 = arith.index_cast %parallel_loop3A_189 : i32 to index
      %parallel_loop3A_226 = arith.constant 16 : index
      %parallel_loop3A_227 = tpu.vector_load %arg6[%parallel_loop3A_225, %parallel_loop3A_226] {strides = array<i32>} : memref<100x32xf32, #tpu.memory_space<vmem>>, vector<16xf32>,
      %parallel_loop3A_228 = arith.constant 1 : i32
      %parallel_loop3A_229 = arith.addi %parallel_loop3A_189, %parallel_loop3A_228 : i32
      %parallel_loop3A_230 = arith.index_cast %parallel_loop3A_229 : i32 to index
      %parallel_loop3A_231 = arith.constant 16 : index
      %parallel_loop3A_232 = tpu.vector_load %arg6[%parallel_loop3A_230, %parallel_loop3A_231] {strides = array<i32>} : memref<100x32xf32, #tpu.memory_space<vmem>>, vector<16xf32>,
      %parallel_loop3A_233 = arith.index_cast %parallel_loop3A_189 : i32 to index
      %parallel_loop3A_234 = arith.constant 16 : index
      %parallel_loop3A_235 = tpu.vector_load %arg7[%parallel_loop3A_233, %parallel_loop3A_234] {strides = array<i32>} : memref<100x32xf32, #tpu.memory_space<vmem>>, vector<16xf32>,
      %parallel_loop3A_236 = arith.constant 1 : i32
      %parallel_loop3A_237 = arith.addi %parallel_loop3A_189, %parallel_loop3A_236 : i32
      %parallel_loop3A_238 = arith.index_cast %parallel_loop3A_237 : i32 to index
      %parallel_loop3A_239 = arith.constant 16 : index
      %parallel_loop3A_240 = tpu.vector_load %arg7[%parallel_loop3A_238, %parallel_loop3A_239] {strides = array<i32>} : memref<100x32xf32, #tpu.memory_space<vmem>>, vector<16xf32>,
      %parallel_loop3A_241 = arith.subf %parallel_loop3A_240, %parallel_loop3A_235 : vector<16xf32>
      %parallel_loop3A_242 = arith.subf %parallel_loop3A_232, %parallel_loop3A_227 : vector<16xf32>
      %parallel_loop3A_243 = arith.divf %parallel_loop3A_241, %parallel_loop3A_242 : vector<16xf32>
      %parallel_loop3A_244 = arith.constant 128 : i32
      %parallel_loop3A_245 = arith.muli %parallel_loop3A_189, %parallel_loop3A_244 : i32
      %parallel_loop3A_246 = arith.constant 16 : i32
      %parallel_loop3A_247 = arith.addi %parallel_loop3A_245, %parallel_loop3A_246 : i32
      %parallel_loop3A_248 = arith.index_cast %parallel_loop3A_247 : i32 to index
      %parallel_loop3A_249 = tpu.vector_load %arg8[%parallel_loop3A_248] {strides = array<i32>} : memref<16384xf32, #tpu.memory_space<vmem>>, vector<16xf32>,
      tpu.vector_store %arg8[%parallel_loop3A_248], %parallel_loop3A_227 {strides = array<i32>} : memref<16384xf32, #tpu.memory_space<vmem>>, vector<16xf32>,
      %parallel_loop3A_250 = arith.mulf %parallel_loop3A_243, %parallel_loop3A_227 : vector<16xf32>
      %parallel_loop3A_251 = arith.subf %parallel_loop3A_235, %parallel_loop3A_250 : vector<16xf32>
      %parallel_loop3A_252 = arith.constant 32 : i32
      %parallel_loop3A_253 = arith.addi %parallel_loop3A_247, %parallel_loop3A_252 : i32
      %parallel_loop3A_254 = arith.index_cast %parallel_loop3A_253 : i32 to index
      %parallel_loop3A_255 = tpu.vector_load %arg8[%parallel_loop3A_254] {strides = array<i32>} : memref<16384xf32, #tpu.memory_space<vmem>>, vector<16xf32>,
      tpu.vector_store %arg8[%parallel_loop3A_254], %parallel_loop3A_251 {strides = array<i32>} : memref<16384xf32, #tpu.memory_space<vmem>>, vector<16xf32>,
      %parallel_loop3A_256 = arith.constant 64 : i32
      %parallel_loop3A_257 = arith.addi %parallel_loop3A_247, %parallel_loop3A_256 : i32
      %parallel_loop3A_258 = arith.index_cast %parallel_loop3A_257 : i32 to index
      %parallel_loop3A_259 = tpu.vector_load %arg8[%parallel_loop3A_258] {strides = array<i32>} : memref<16384xf32, #tpu.memory_space<vmem>>, vector<16xf32>,
      tpu.vector_store %arg8[%parallel_loop3A_258], %parallel_loop3A_243 {strides = array<i32>} : memref<16384xf32, #tpu.memory_space<vmem>>, vector<16xf32>,
    } {sc.loop_unroll_factor = 4 : i64, sc.parallel_access}
    %get3A = arith.constant 98 : i32
    %get3A_24 = arith.index_cast %get3A : i32 to index
    %get3A_25 = arith.constant 0 : index
    %get3A_26 = tpu.vector_load %arg6[%get3A_24, %get3A_25] {strides = array<i32>} : memref<100x32xf32, #tpu.memory_space<vmem>>, vector<16xf32>,
    %get3A_27 = arith.constant 99 : i32
    %get3A_28 = arith.index_cast %get3A_27 : i32 to index
    %get3A_29 = arith.constant 0 : index
    %get3A_30 = tpu.vector_load %arg6[%get3A_28, %get3A_29] {strides = array<i32>} : memref<100x32xf32, #tpu.memory_space<vmem>>, vector<16xf32>,
    %get3A_31 = arith.constant 98 : i32
    %get3A_32 = arith.index_cast %get3A_31 : i32 to index
    %get3A_33 = arith.constant 0 : index
    %get3A_34 = tpu.vector_load %arg7[%get3A_32, %get3A_33] {strides = array<i32>} : memref<100x32xf32, #tpu.memory_space<vmem>>, vector<16xf32>,
    %get3A_35 = arith.constant 99 : i32
    %get3A_36 = arith.index_cast %get3A_35 : i32 to index
    %get3A_37 = arith.constant 0 : index
    %get3A_38 = tpu.vector_load %arg7[%get3A_36, %get3A_37] {strides = array<i32>} : memref<100x32xf32, #tpu.memory_space<vmem>>, vector<16xf32>,
    %sub3A = arith.subf %get3A_38, %get3A_34 : vector<16xf32>
    %sub3A_39 = arith.subf %get3A_30, %get3A_26 : vector<16xf32>
    %div3A = arith.divf %sub3A, %sub3A_39 : vector<16xf32>
    %swap3A = arith.constant 12672 : index
    %swap3A_40 = tpu.vector_load %arg8[%swap3A] {strides = array<i32>} : memref<16384xf32, #tpu.memory_space<vmem>>, vector<16xf32>,
    tpu.vector_store %arg8[%swap3A], %get3A_30 {strides = array<i32>} : memref<16384xf32, #tpu.memory_space<vmem>>, vector<16xf32>,
    %mul3A_41 = arith.mulf %div3A, %get3A_30 : vector<16xf32>
    %sub3A_42 = arith.subf %get3A_38, %mul3A_41 : vector<16xf32>
    %swap3A_43 = arith.constant 12704 : index
    %swap3A_44 = tpu.vector_load %arg8[%swap3A_43] {strides = array<i32>} : memref<16384xf32, #tpu.memory_space<vmem>>, vector<16xf32>,
    tpu.vector_store %arg8[%swap3A_43], %sub3A_42 {strides = array<i32>} : memref<16384xf32, #tpu.memory_space<vmem>>, vector<16xf32>,
    %get3A_45 = arith.constant 98 : i32
    %get3A_46 = arith.index_cast %get3A_45 : i32 to index
    %get3A_47 = arith.constant 16 : index
    %get3A_48 = tpu.vector_load %arg6[%get3A_46, %get3A_47] {strides = array<i32>} : memref<100x32xf32, #tpu.memory_space<vmem>>, vector<16xf32>,
    %get3A_49 = arith.constant 99 : i32
    %get3A_50 = arith.index_cast %get3A_49 : i32 to index
    %get3A_51 = arith.constant 16 : index
    %get3A_52 = tpu.vector_load %arg6[%get3A_50, %get3A_51] {strides = array<i32>} : memref<100x32xf32, #tpu.memory_space<vmem>>, vector<16xf32>,
    %get3A_53 = arith.constant 98 : i32
    %get3A_54 = arith.index_cast %get3A_53 : i32 to index
    %get3A_55 = arith.constant 16 : index
    %get3A_56 = tpu.vector_load %arg7[%get3A_54, %get3A_55] {strides = array<i32>} : memref<100x32xf32, #tpu.memory_space<vmem>>, vector<16xf32>,
    %get3A_57 = arith.constant 99 : i32
    %get3A_58 = arith.index_cast %get3A_57 : i32 to index
    %get3A_59 = arith.constant 16 : index
    %get3A_60 = tpu.vector_load %arg7[%get3A_58, %get3A_59] {strides = array<i32>} : memref<100x32xf32, #tpu.memory_space<vmem>>, vector<16xf32>,
    %sub3A_61 = arith.subf %get3A_60, %get3A_56 : vector<16xf32>
    %sub3A_62 = arith.subf %get3A_52, %get3A_48 : vector<16xf32>
    %div3A_63 = arith.divf %sub3A_61, %sub3A_62 : vector<16xf32>
    %swap3A_64 = arith.constant 12688 : index
    %swap3A_65 = tpu.vector_load %arg8[%swap3A_64] {strides = array<i32>} : memref<16384xf32, #tpu.memory_space<vmem>>, vector<16xf32>,
    tpu.vector_store %arg8[%swap3A_64], %get3A_52 {strides = array<i32>} : memref<16384xf32, #tpu.memory_space<vmem>>, vector<16xf32>,
    %mul3A_66 = arith.mulf %div3A_63, %get3A_52 : vector<16xf32>
    %sub3A_67 = arith.subf %get3A_60, %mul3A_66 : vector<16xf32>
    %swap3A_68 = arith.constant 12720 : index
    %swap3A_69 = tpu.vector_load %arg8[%swap3A_68] {strides = array<i32>} : memref<16384xf32, #tpu.memory_space<vmem>>, vector<16xf32>,
    tpu.vector_store %arg8[%swap3A_68], %sub3A_67 {strides = array<i32>} : memref<16384xf32, #tpu.memory_space<vmem>>, vector<16xf32>,
    %swap3A_70 = arith.constant 12800 : index
    %swap3A_71 = tpu.vector_load %arg8[%swap3A_70] {strides = array<i32>} : memref<16384xf32, #tpu.memory_space<vmem>>, vector<16xf32>,
    tpu.vector_store %arg8[%swap3A_70], %broadcast_in_dim3A_21 {strides = array<i32>} : memref<16384xf32, #tpu.memory_space<vmem>>, vector<16xf32>,
    %swap3A_72 = arith.constant 12816 : index
    %swap3A_73 = tpu.vector_load %arg8[%swap3A_72] {strides = array<i32>} : memref<16384xf32, #tpu.memory_space<vmem>>, vector<16xf32>,
    tpu.vector_store %arg8[%swap3A_72], %broadcast_in_dim3A_21 {strides = array<i32>} : memref<16384xf32, #tpu.memory_space<vmem>>, vector<16xf32>,
    %swap3A_74 = arith.constant 12928 : index
    %swap3A_75 = tpu.vector_load %arg8[%swap3A_74] {strides = array<i32>} : memref<16384xf32, #tpu.memory_space<vmem>>, vector<16xf32>,
    tpu.vector_store %arg8[%swap3A_74], %broadcast_in_dim3A_21 {strides = array<i32>} : memref<16384xf32, #tpu.memory_space<vmem>>, vector<16xf32>,
    %swap3A_76 = arith.constant 12944 : index
    %swap3A_77 = tpu.vector_load %arg8[%swap3A_76] {strides = array<i32>} : memref<16384xf32, #tpu.memory_space<vmem>>, vector<16xf32>,
    tpu.vector_store %arg8[%swap3A_76], %broadcast_in_dim3A_21 {strides = array<i32>} : memref<16384xf32, #tpu.memory_space<vmem>>, vector<16xf32>,
    %swap3A_78 = arith.constant 13056 : index
    %swap3A_79 = tpu.vector_load %arg8[%swap3A_78] {strides = array<i32>} : memref<16384xf32, #tpu.memory_space<vmem>>, vector<16xf32>,
    tpu.vector_store %arg8[%swap3A_78], %broadcast_in_dim3A_21 {strides = array<i32>} : memref<16384xf32, #tpu.memory_space<vmem>>, vector<16xf32>,
    %swap3A_80 = arith.constant 13072 : index
    %swap3A_81 = tpu.vector_load %arg8[%swap3A_80] {strides = array<i32>} : memref<16384xf32, #tpu.memory_space<vmem>>, vector<16xf32>,
    tpu.vector_store %arg8[%swap3A_80], %broadcast_in_dim3A_21 {strides = array<i32>} : memref<16384xf32, #tpu.memory_space<vmem>>, vector<16xf32>,
    %swap3A_82 = arith.constant 13184 : index
    %swap3A_83 = tpu.vector_load %arg8[%swap3A_82] {strides = array<i32>} : memref<16384xf32, #tpu.memory_space<vmem>>, vector<16xf32>,
    tpu.vector_store %arg8[%swap3A_82], %broadcast_in_dim3A_21 {strides = array<i32>} : memref<16384xf32, #tpu.memory_space<vmem>>, vector<16xf32>,
    %swap3A_84 = arith.constant 13200 : index
    %swap3A_85 = tpu.vector_load %arg8[%swap3A_84] {strides = array<i32>} : memref<16384xf32, #tpu.memory_space<vmem>>, vector<16xf32>,
    tpu.vector_store %arg8[%swap3A_84], %broadcast_in_dim3A_21 {strides = array<i32>} : memref<16384xf32, #tpu.memory_space<vmem>>, vector<16xf32>,
    %swap3A_86 = arith.constant 13312 : index
    %swap3A_87 = tpu.vector_load %arg8[%swap3A_86] {strides = array<i32>} : memref<16384xf32, #tpu.memory_space<vmem>>, vector<16xf32>,
    tpu.vector_store %arg8[%swap3A_86], %broadcast_in_dim3A_21 {strides = array<i32>} : memref<16384xf32, #tpu.memory_space<vmem>>, vector<16xf32>,
    %swap3A_88 = arith.constant 13328 : index
    %swap3A_89 = tpu.vector_load %arg8[%swap3A_88] {strides = array<i32>} : memref<16384xf32, #tpu.memory_space<vmem>>, vector<16xf32>,
    tpu.vector_store %arg8[%swap3A_88], %broadcast_in_dim3A_21 {strides = array<i32>} : memref<16384xf32, #tpu.memory_space<vmem>>, vector<16xf32>,
    %swap3A_90 = arith.constant 13440 : index
    %swap3A_91 = tpu.vector_load %arg8[%swap3A_90] {strides = array<i32>} : memref<16384xf32, #tpu.memory_space<vmem>>, vector<16xf32>,
    tpu.vector_store %arg8[%swap3A_90], %broadcast_in_dim3A_21 {strides = array<i32>} : memref<16384xf32, #tpu.memory_space<vmem>>, vector<16xf32>,
    %swap3A_92 = arith.constant 13456 : index
    %swap3A_93 = tpu.vector_load %arg8[%swap3A_92] {strides = array<i32>} : memref<16384xf32, #tpu.memory_space<vmem>>, vector<16xf32>,
    tpu.vector_store %arg8[%swap3A_92], %broadcast_in_dim3A_21 {strides = array<i32>} : memref<16384xf32, #tpu.memory_space<vmem>>, vector<16xf32>,
    %swap3A_94 = arith.constant 13568 : index
    %swap3A_95 = tpu.vector_load %arg8[%swap3A_94] {strides = array<i32>} : memref<16384xf32, #tpu.memory_space<vmem>>, vector<16xf32>,
    tpu.vector_store %arg8[%swap3A_94], %broadcast_in_dim3A_21 {strides = array<i32>} : memref<16384xf32, #tpu.memory_space<vmem>>, vector<16xf32>,
    %swap3A_96 = arith.constant 13584 : index
    %swap3A_97 = tpu.vector_load %arg8[%swap3A_96] {strides = array<i32>} : memref<16384xf32, #tpu.memory_space<vmem>>, vector<16xf32>,
    tpu.vector_store %arg8[%swap3A_96], %broadcast_in_dim3A_21 {strides = array<i32>} : memref<16384xf32, #tpu.memory_space<vmem>>, vector<16xf32>,
    %swap3A_98 = arith.constant 13696 : index
    %swap3A_99 = tpu.vector_load %arg8[%swap3A_98] {strides = array<i32>} : memref<16384xf32, #tpu.memory_space<vmem>>, vector<16xf32>,
    tpu.vector_store %arg8[%swap3A_98], %broadcast_in_dim3A_21 {strides = array<i32>} : memref<16384xf32, #tpu.memory_space<vmem>>, vector<16xf32>,
    %swap3A_100 = arith.constant 13712 : index
    %swap3A_101 = tpu.vector_load %arg8[%swap3A_100] {strides = array<i32>} : memref<16384xf32, #tpu.memory_space<vmem>>, vector<16xf32>,
    tpu.vector_store %arg8[%swap3A_100], %broadcast_in_dim3A_21 {strides = array<i32>} : memref<16384xf32, #tpu.memory_space<vmem>>, vector<16xf32>,
    %swap3A_102 = arith.constant 13824 : index
    %swap3A_103 = tpu.vector_load %arg8[%swap3A_102] {strides = array<i32>} : memref<16384xf32, #tpu.memory_space<vmem>>, vector<16xf32>,
    tpu.vector_store %arg8[%swap3A_102], %broadcast_in_dim3A_21 {strides = array<i32>} : memref<16384xf32, #tpu.memory_space<vmem>>, vector<16xf32>,
    %swap3A_104 = arith.constant 13840 : index
    %swap3A_105 = tpu.vector_load %arg8[%swap3A_104] {strides = array<i32>} : memref<16384xf32, #tpu.memory_space<vmem>>, vector<16xf32>,
    tpu.vector_store %arg8[%swap3A_104], %broadcast_in_dim3A_21 {strides = array<i32>} : memref<16384xf32, #tpu.memory_space<vmem>>, vector<16xf32>,
    %swap3A_106 = arith.constant 13952 : index
    %swap3A_107 = tpu.vector_load %arg8[%swap3A_106] {strides = array<i32>} : memref<16384xf32, #tpu.memory_space<vmem>>, vector<16xf32>,
    tpu.vector_store %arg8[%swap3A_106], %broadcast_in_dim3A_21 {strides = array<i32>} : memref<16384xf32, #tpu.memory_space<vmem>>, vector<16xf32>,
    %swap3A_108 = arith.constant 13968 : index
    %swap3A_109 = tpu.vector_load %arg8[%swap3A_108] {strides = array<i32>} : memref<16384xf32, #tpu.memory_space<vmem>>, vector<16xf32>,
    tpu.vector_store %arg8[%swap3A_108], %broadcast_in_dim3A_21 {strides = array<i32>} : memref<16384xf32, #tpu.memory_space<vmem>>, vector<16xf32>,
    %swap3A_110 = arith.constant 14080 : index
    %swap3A_111 = tpu.vector_load %arg8[%swap3A_110] {strides = array<i32>} : memref<16384xf32, #tpu.memory_space<vmem>>, vector<16xf32>,
    tpu.vector_store %arg8[%swap3A_110], %broadcast_in_dim3A_21 {strides = array<i32>} : memref<16384xf32, #tpu.memory_space<vmem>>, vector<16xf32>,
    %swap3A_112 = arith.constant 14096 : index
    %swap3A_113 = tpu.vector_load %arg8[%swap3A_112] {strides = array<i32>} : memref<16384xf32, #tpu.memory_space<vmem>>, vector<16xf32>,
    tpu.vector_store %arg8[%swap3A_112], %broadcast_in_dim3A_21 {strides = array<i32>} : memref<16384xf32, #tpu.memory_space<vmem>>, vector<16xf32>,
    %swap3A_114 = arith.constant 14208 : index
    %swap3A_115 = tpu.vector_load %arg8[%swap3A_114] {strides = array<i32>} : memref<16384xf32, #tpu.memory_space<vmem>>, vector<16xf32>,
    tpu.vector_store %arg8[%swap3A_114], %broadcast_in_dim3A_21 {strides = array<i32>} : memref<16384xf32, #tpu.memory_space<vmem>>, vector<16xf32>,
    %swap3A_116 = arith.constant 14224 : index
    %swap3A_117 = tpu.vector_load %arg8[%swap3A_116] {strides = array<i32>} : memref<16384xf32, #tpu.memory_space<vmem>>, vector<16xf32>,
    tpu.vector_store %arg8[%swap3A_116], %broadcast_in_dim3A_21 {strides = array<i32>} : memref<16384xf32, #tpu.memory_space<vmem>>, vector<16xf32>,
    %swap3A_118 = arith.constant 14336 : index
    %swap3A_119 = tpu.vector_load %arg8[%swap3A_118] {strides = array<i32>} : memref<16384xf32, #tpu.memory_space<vmem>>, vector<16xf32>,
    tpu.vector_store %arg8[%swap3A_118], %broadcast_in_dim3A_21 {strides = array<i32>} : memref<16384xf32, #tpu.memory_space<vmem>>, vector<16xf32>,
    %swap3A_120 = arith.constant 14352 : index
    %swap3A_121 = tpu.vector_load %arg8[%swap3A_120] {strides = array<i32>} : memref<16384xf32, #tpu.memory_space<vmem>>, vector<16xf32>,
    tpu.vector_store %arg8[%swap3A_120], %broadcast_in_dim3A_21 {strides = array<i32>} : memref<16384xf32, #tpu.memory_space<vmem>>, vector<16xf32>,
    %swap3A_122 = arith.constant 14464 : index
    %swap3A_123 = tpu.vector_load %arg8[%swap3A_122] {strides = array<i32>} : memref<16384xf32, #tpu.memory_space<vmem>>, vector<16xf32>,
    tpu.vector_store %arg8[%swap3A_122], %broadcast_in_dim3A_21 {strides = array<i32>} : memref<16384xf32, #tpu.memory_space<vmem>>, vector<16xf32>,
    %swap3A_124 = arith.constant 14480 : index
    %swap3A_125 = tpu.vector_load %arg8[%swap3A_124] {strides = array<i32>} : memref<16384xf32, #tpu.memory_space<vmem>>, vector<16xf32>,
    tpu.vector_store %arg8[%swap3A_124], %broadcast_in_dim3A_21 {strides = array<i32>} : memref<16384xf32, #tpu.memory_space<vmem>>, vector<16xf32>,
    %swap3A_126 = arith.constant 14592 : index
    %swap3A_127 = tpu.vector_load %arg8[%swap3A_126] {strides = array<i32>} : memref<16384xf32, #tpu.memory_space<vmem>>, vector<16xf32>,
    tpu.vector_store %arg8[%swap3A_126], %broadcast_in_dim3A_21 {strides = array<i32>} : memref<16384xf32, #tpu.memory_space<vmem>>, vector<16xf32>,
    %swap3A_128 = arith.constant 14608 : index
    %swap3A_129 = tpu.vector_load %arg8[%swap3A_128] {strides = array<i32>} : memref<16384xf32, #tpu.memory_space<vmem>>, vector<16xf32>,
    tpu.vector_store %arg8[%swap3A_128], %broadcast_in_dim3A_21 {strides = array<i32>} : memref<16384xf32, #tpu.memory_space<vmem>>, vector<16xf32>,
    %swap3A_130 = arith.constant 14720 : index
    %swap3A_131 = tpu.vector_load %arg8[%swap3A_130] {strides = array<i32>} : memref<16384xf32, #tpu.memory_space<vmem>>, vector<16xf32>,
    tpu.vector_store %arg8[%swap3A_130], %broadcast_in_dim3A_21 {strides = array<i32>} : memref<16384xf32, #tpu.memory_space<vmem>>, vector<16xf32>,
    %swap3A_132 = arith.constant 14736 : index
    %swap3A_133 = tpu.vector_load %arg8[%swap3A_132] {strides = array<i32>} : memref<16384xf32, #tpu.memory_space<vmem>>, vector<16xf32>,
    tpu.vector_store %arg8[%swap3A_132], %broadcast_in_dim3A_21 {strides = array<i32>} : memref<16384xf32, #tpu.memory_space<vmem>>, vector<16xf32>,
    %swap3A_134 = arith.constant 14848 : index
    %swap3A_135 = tpu.vector_load %arg8[%swap3A_134] {strides = array<i32>} : memref<16384xf32, #tpu.memory_space<vmem>>, vector<16xf32>,
    tpu.vector_store %arg8[%swap3A_134], %broadcast_in_dim3A_21 {strides = array<i32>} : memref<16384xf32, #tpu.memory_space<vmem>>, vector<16xf32>,
    %swap3A_136 = arith.constant 14864 : index
    %swap3A_137 = tpu.vector_load %arg8[%swap3A_136] {strides = array<i32>} : memref<16384xf32, #tpu.memory_space<vmem>>, vector<16xf32>,
    tpu.vector_store %arg8[%swap3A_136], %broadcast_in_dim3A_21 {strides = array<i32>} : memref<16384xf32, #tpu.memory_space<vmem>>, vector<16xf32>,
    %swap3A_138 = arith.constant 14976 : index
    %swap3A_139 = tpu.vector_load %arg8[%swap3A_138] {strides = array<i32>} : memref<16384xf32, #tpu.memory_space<vmem>>, vector<16xf32>,
    tpu.vector_store %arg8[%swap3A_138], %broadcast_in_dim3A_21 {strides = array<i32>} : memref<16384xf32, #tpu.memory_space<vmem>>, vector<16xf32>,
    %swap3A_140 = arith.constant 14992 : index
    %swap3A_141 = tpu.vector_load %arg8[%swap3A_140] {strides = array<i32>} : memref<16384xf32, #tpu.memory_space<vmem>>, vector<16xf32>,
    tpu.vector_store %arg8[%swap3A_140], %broadcast_in_dim3A_21 {strides = array<i32>} : memref<16384xf32, #tpu.memory_space<vmem>>, vector<16xf32>,
    %swap3A_142 = arith.constant 15104 : index
    %swap3A_143 = tpu.vector_load %arg8[%swap3A_142] {strides = array<i32>} : memref<16384xf32, #tpu.memory_space<vmem>>, vector<16xf32>,
    tpu.vector_store %arg8[%swap3A_142], %broadcast_in_dim3A_21 {strides = array<i32>} : memref<16384xf32, #tpu.memory_space<vmem>>, vector<16xf32>,
    %swap3A_144 = arith.constant 15120 : index
    %swap3A_145 = tpu.vector_load %arg8[%swap3A_144] {strides = array<i32>} : memref<16384xf32, #tpu.memory_space<vmem>>, vector<16xf32>,
    tpu.vector_store %arg8[%swap3A_144], %broadcast_in_dim3A_21 {strides = array<i32>} : memref<16384xf32, #tpu.memory_space<vmem>>, vector<16xf32>,
    %swap3A_146 = arith.constant 15232 : index
    %swap3A_147 = tpu.vector_load %arg8[%swap3A_146] {strides = array<i32>} : memref<16384xf32, #tpu.memory_space<vmem>>, vector<16xf32>,
    tpu.vector_store %arg8[%swap3A_146], %broadcast_in_dim3A_21 {strides = array<i32>} : memref<16384xf32, #tpu.memory_space<vmem>>, vector<16xf32>,
    %swap3A_148 = arith.constant 15248 : index
    %swap3A_149 = tpu.vector_load %arg8[%swap3A_148] {strides = array<i32>} : memref<16384xf32, #tpu.memory_space<vmem>>, vector<16xf32>,
    tpu.vector_store %arg8[%swap3A_148], %broadcast_in_dim3A_21 {strides = array<i32>} : memref<16384xf32, #tpu.memory_space<vmem>>, vector<16xf32>,
    %swap3A_150 = arith.constant 15360 : index
    %swap3A_151 = tpu.vector_load %arg8[%swap3A_150] {strides = array<i32>} : memref<16384xf32, #tpu.memory_space<vmem>>, vector<16xf32>,
    tpu.vector_store %arg8[%swap3A_150], %broadcast_in_dim3A_21 {strides = array<i32>} : memref<16384xf32, #tpu.memory_space<vmem>>, vector<16xf32>,
    %swap3A_152 = arith.constant 15376 : index
    %swap3A_153 = tpu.vector_load %arg8[%swap3A_152] {strides = array<i32>} : memref<16384xf32, #tpu.memory_space<vmem>>, vector<16xf32>,
    tpu.vector_store %arg8[%swap3A_152], %broadcast_in_dim3A_21 {strides = array<i32>} : memref<16384xf32, #tpu.memory_space<vmem>>, vector<16xf32>,
    %swap3A_154 = arith.constant 15488 : index
    %swap3A_155 = tpu.vector_load %arg8[%swap3A_154] {strides = array<i32>} : memref<16384xf32, #tpu.memory_space<vmem>>, vector<16xf32>,
    tpu.vector_store %arg8[%swap3A_154], %broadcast_in_dim3A_21 {strides = array<i32>} : memref<16384xf32, #tpu.memory_space<vmem>>, vector<16xf32>,
    %swap3A_156 = arith.constant 15504 : index
    %swap3A_157 = tpu.vector_load %arg8[%swap3A_156] {strides = array<i32>} : memref<16384xf32, #tpu.memory_space<vmem>>, vector<16xf32>,
    tpu.vector_store %arg8[%swap3A_156], %broadcast_in_dim3A_21 {strides = array<i32>} : memref<16384xf32, #tpu.memory_space<vmem>>, vector<16xf32>,
    %swap3A_158 = arith.constant 15616 : index
    %swap3A_159 = tpu.vector_load %arg8[%swap3A_158] {strides = array<i32>} : memref<16384xf32, #tpu.memory_space<vmem>>, vector<16xf32>,
    tpu.vector_store %arg8[%swap3A_158], %broadcast_in_dim3A_21 {strides = array<i32>} : memref<16384xf32, #tpu.memory_space<vmem>>, vector<16xf32>,
    %swap3A_160 = arith.constant 15632 : index
    %swap3A_161 = tpu.vector_load %arg8[%swap3A_160] {strides = array<i32>} : memref<16384xf32, #tpu.memory_space<vmem>>, vector<16xf32>,
    tpu.vector_store %arg8[%swap3A_160], %broadcast_in_dim3A_21 {strides = array<i32>} : memref<16384xf32, #tpu.memory_space<vmem>>, vector<16xf32>,
    %swap3A_162 = arith.constant 15744 : index
    %swap3A_163 = tpu.vector_load %arg8[%swap3A_162] {strides = array<i32>} : memref<16384xf32, #tpu.memory_space<vmem>>, vector<16xf32>,
    tpu.vector_store %arg8[%swap3A_162], %broadcast_in_dim3A_21 {strides = array<i32>} : memref<16384xf32, #tpu.memory_space<vmem>>, vector<16xf32>,
    %swap3A_164 = arith.constant 15760 : index
    %swap3A_165 = tpu.vector_load %arg8[%swap3A_164] {strides = array<i32>} : memref<16384xf32, #tpu.memory_space<vmem>>, vector<16xf32>,
    tpu.vector_store %arg8[%swap3A_164], %broadcast_in_dim3A_21 {strides = array<i32>} : memref<16384xf32, #tpu.memory_space<vmem>>, vector<16xf32>,
    %swap3A_166 = arith.constant 15872 : index
    %swap3A_167 = tpu.vector_load %arg8[%swap3A_166] {strides = array<i32>} : memref<16384xf32, #tpu.memory_space<vmem>>, vector<16xf32>,
    tpu.vector_store %arg8[%swap3A_166], %broadcast_in_dim3A_21 {strides = array<i32>} : memref<16384xf32, #tpu.memory_space<vmem>>, vector<16xf32>,
    %swap3A_168 = arith.constant 15888 : index
    %swap3A_169 = tpu.vector_load %arg8[%swap3A_168] {strides = array<i32>} : memref<16384xf32, #tpu.memory_space<vmem>>, vector<16xf32>,
    tpu.vector_store %arg8[%swap3A_168], %broadcast_in_dim3A_21 {strides = array<i32>} : memref<16384xf32, #tpu.memory_space<vmem>>, vector<16xf32>,
    %swap3A_170 = arith.constant 16000 : index
    %swap3A_171 = tpu.vector_load %arg8[%swap3A_170] {strides = array<i32>} : memref<16384xf32, #tpu.memory_space<vmem>>, vector<16xf32>,
    tpu.vector_store %arg8[%swap3A_170], %broadcast_in_dim3A_21 {strides = array<i32>} : memref<16384xf32, #tpu.memory_space<vmem>>, vector<16xf32>,
    %swap3A_172 = arith.constant 16016 : index
    %swap3A_173 = tpu.vector_load %arg8[%swap3A_172] {strides = array<i32>} : memref<16384xf32, #tpu.memory_space<vmem>>, vector<16xf32>,
    tpu.vector_store %arg8[%swap3A_172], %broadcast_in_dim3A_21 {strides = array<i32>} : memref<16384xf32, #tpu.memory_space<vmem>>, vector<16xf32>,
    %swap3A_174 = arith.constant 16128 : index
    %swap3A_175 = tpu.vector_load %arg8[%swap3A_174] {strides = array<i32>} : memref<16384xf32, #tpu.memory_space<vmem>>, vector<16xf32>,
    tpu.vector_store %arg8[%swap3A_174], %broadcast_in_dim3A_21 {strides = array<i32>} : memref<16384xf32, #tpu.memory_space<vmem>>, vector<16xf32>,
    %swap3A_176 = arith.constant 16144 : index
    %swap3A_177 = tpu.vector_load %arg8[%swap3A_176] {strides = array<i32>} : memref<16384xf32, #tpu.memory_space<vmem>>, vector<16xf32>,
    tpu.vector_store %arg8[%swap3A_176], %broadcast_in_dim3A_21 {strides = array<i32>} : memref<16384xf32, #tpu.memory_space<vmem>>, vector<16xf32>,
    %swap3A_178 = arith.constant 16256 : index
    %swap3A_179 = tpu.vector_load %arg8[%swap3A_178] {strides = array<i32>} : memref<16384xf32, #tpu.memory_space<vmem>>, vector<16xf32>,
    tpu.vector_store %arg8[%swap3A_178], %broadcast_in_dim3A_21 {strides = array<i32>} : memref<16384xf32, #tpu.memory_space<vmem>>, vector<16xf32>,
    %swap3A_180 = arith.constant 16272 : index
    %swap3A_181 = tpu.vector_load %arg8[%swap3A_180] {strides = array<i32>} : memref<16384xf32, #tpu.memory_space<vmem>>, vector<16xf32>,
    tpu.vector_store %arg8[%swap3A_180], %broadcast_in_dim3A_21 {strides = array<i32>} : memref<16384xf32, #tpu.memory_space<vmem>>, vector<16xf32>,
    %dma_wait3A_182 = arith.constant 0 : i32
    %dma_wait3A_183 = tpu.memref_slice %arg4[%dma_wait3A_182, %multiple_of3A] : memref<128x1024xf32, #tpu.memory_space<hbm>> -> memref<128x32xf32, #tpu.memory_space<hbm>>
    %dma_wait3A_184 = arith.constant 0 : i32
    %dma_wait3A_185 = tpu.memref_slice %arg4[%dma_wait3A_184, %multiple_of3A] : memref<128x1024xf32, #tpu.memory_space<hbm>> -> memref<128x32xf32, #tpu.memory_space<hbm>>
    tpu.wait_dma2 semaphore(%arg12 : memref<!tpu.dma_semaphore, #tpu.memory_space<semaphore_mem>>) src(%dma_wait3A_185 : memref<128x32xf32, #tpu.memory_space<hbm>>) dst(%arg9 : memref<128x32xf32, #tpu.memory_space<vmem>>)
    %parallel_loop3A_186 = arith.constant 0 : i32
    %parallel_loop3A_187 = arith.constant 128 : i32
    %parallel_loop3A_188 = arith.constant 1 : i32
    scf.for %parallel_loop3A_189 = %parallel_loop3A_186 to %parallel_loop3A_187 step %parallel_loop3A_188  : i32 {
      %parallel_loop3A_190 = arith.constant 0 : i32
      %parallel_loop3A_191 = vector.broadcast %parallel_loop3A_190 : i32 to vector<16xi32>
      %parallel_loop3A_192 = arith.addi %iota3A, %parallel_loop3A_191 : vector<16xi32>
      %parallel_loop3A_193 = arith.index_cast %parallel_loop3A_189 : i32 to index
      %parallel_loop3A_194 = arith.constant 0 : index
      %parallel_loop3A_195 = tpu.vector_load %arg9[%parallel_loop3A_193, %parallel_loop3A_194] {strides = array<i32>} : memref<128x32xf32, #tpu.memory_space<vmem>>, vector<16xf32>,
      %parallel_loop3A_196 = arith.constant 8064 : i32
      %parallel_loop3A_197 = vector.broadcast %parallel_loop3A_196 : i32 to vector<16xi32>
      %parallel_loop3A_198 = arith.addi %parallel_loop3A_192, %parallel_loop3A_197 : vector<16xi32>
      %parallel_loop3A_199 = tpu.vector_load_idx %arg8[%parallel_loop3A_198] : memref<16384xf32, #tpu.memory_space<vmem>>[vector<16xi32>], vector<16xf32>,
      %parallel_loop3A_200 = arith.cmpf ole, %parallel_loop3A_199, %parallel_loop3A_195 : vector<16xf32>
      %parallel_loop3A_201 = arith.constant 8064 : i32
      %parallel_loop3A_202 = vector.broadcast %parallel_loop3A_201 : i32 to vector<16xi32>
      %parallel_loop3A_203 = arith.addi %parallel_loop3A_192, %parallel_loop3A_202 : vector<16xi32>
      %parallel_loop3A_204 = arith.constant 128 : i32
      %parallel_loop3A_205 = vector.broadcast %parallel_loop3A_204 : i32 to vector<16xi32>
      %parallel_loop3A_206 = arith.subi %parallel_loop3A_192, %parallel_loop3A_205 : vector<16xi32>
      %parallel_loop3A_207 = arith.select %parallel_loop3A_200, %parallel_loop3A_203, %parallel_loop3A_206 : vector<16xi1>, vector<16xi32>
      %parallel_loop3A_208 = arith.constant 4096 : i32
      %parallel_loop3A_209 = vector.broadcast %parallel_loop3A_208 : i32 to vector<16xi32>
      %parallel_loop3A_210 = arith.addi %parallel_loop3A_207, %parallel_loop3A_209 : vector<16xi32>
      %parallel_loop3A_211 = tpu.vector_load_idx %arg8[%parallel_loop3A_210] : memref<16384xf32, #tpu.memory_space<vmem>>[vector<16xi32>], vector<16xf32>,
      %parallel_loop3A_212 = arith.cmpf ole, %parallel_loop3A_211, %parallel_loop3A_195 : vector<16xf32>
      %parallel_loop3A_213 = arith.select %parallel_loop3A_212, %parallel_loop3A_210, %parallel_loop3A_207 : vector<16xi1>, vector<16xi32>
      %parallel_loop3A_214 = arith.constant 2048 : i32
      %parallel_loop3A_215 = vector.broadcast %parallel_loop3A_214 : i32 to vector<16xi32>
      %parallel_loop3A_216 = arith.addi %parallel_loop3A_213, %parallel_loop3A_215 : vector<16xi32>
      %parallel_loop3A_217 = tpu.vector_load_idx %arg8[%parallel_loop3A_216] : memref<16384xf32, #tpu.memory_space<vmem>>[vector<16xi32>], vector<16xf32>,
      %parallel_loop3A_218 = arith.cmpf ole, %parallel_loop3A_217, %parallel_loop3A_195 : vector<16xf32>
      %parallel_loop3A_219 = arith.select %parallel_loop3A_218, %parallel_loop3A_216, %parallel_loop3A_213 : vector<16xi1>, vector<16xi32>
      %parallel_loop3A_220 = arith.constant 1024 : i32
      %parallel_loop3A_221 = vector.broadcast %parallel_loop3A_220 : i32 to vector<16xi32>
      %parallel_loop3A_222 = arith.addi %parallel_loop3A_219, %parallel_loop3A_221 : vector<16xi32>
      %parallel_loop3A_223 = tpu.vector_load_idx %arg8[%parallel_loop3A_222] : memref<16384xf32, #tpu.memory_space<vmem>>[vector<16xi32>], vector<16xf32>,
      %parallel_loop3A_224 = arith.cmpf ole, %parallel_loop3A_223, %parallel_loop3A_195 : vector<16xf32>
      %parallel_loop3A_225 = arith.select %parallel_loop3A_224, %parallel_loop3A_222, %parallel_loop3A_219 : vector<16xi1>, vector<16xi32>
      %parallel_loop3A_226 = arith.constant 512 : i32
      %parallel_loop3A_227 = vector.broadcast %parallel_loop3A_226 : i32 to vector<16xi32>
      %parallel_loop3A_228 = arith.addi %parallel_loop3A_225, %parallel_loop3A_227 : vector<16xi32>
      %parallel_loop3A_229 = tpu.vector_load_idx %arg8[%parallel_loop3A_228] : memref<16384xf32, #tpu.memory_space<vmem>>[vector<16xi32>], vector<16xf32>,
      %parallel_loop3A_230 = arith.cmpf ole, %parallel_loop3A_229, %parallel_loop3A_195 : vector<16xf32>
      %parallel_loop3A_231 = arith.select %parallel_loop3A_230, %parallel_loop3A_228, %parallel_loop3A_225 : vector<16xi1>, vector<16xi32>
      %parallel_loop3A_232 = arith.constant 256 : i32
      %parallel_loop3A_233 = vector.broadcast %parallel_loop3A_232 : i32 to vector<16xi32>
      %parallel_loop3A_234 = arith.addi %parallel_loop3A_231, %parallel_loop3A_233 : vector<16xi32>
      %parallel_loop3A_235 = tpu.vector_load_idx %arg8[%parallel_loop3A_234] : memref<16384xf32, #tpu.memory_space<vmem>>[vector<16xi32>], vector<16xf32>,
      %parallel_loop3A_236 = arith.cmpf ole, %parallel_loop3A_235, %parallel_loop3A_195 : vector<16xf32>
      %parallel_loop3A_237 = arith.select %parallel_loop3A_236, %parallel_loop3A_234, %parallel_loop3A_231 : vector<16xi1>, vector<16xi32>
      %parallel_loop3A_238 = arith.constant 128 : i32
      %parallel_loop3A_239 = vector.broadcast %parallel_loop3A_238 : i32 to vector<16xi32>
      %parallel_loop3A_240 = arith.addi %parallel_loop3A_237, %parallel_loop3A_239 : vector<16xi32>
      %parallel_loop3A_241 = tpu.vector_load_idx %arg8[%parallel_loop3A_240] : memref<16384xf32, #tpu.memory_space<vmem>>[vector<16xi32>], vector<16xf32>,
      %parallel_loop3A_242 = arith.cmpf ole, %parallel_loop3A_241, %parallel_loop3A_195 : vector<16xf32>
      %parallel_loop3A_243 = arith.select %parallel_loop3A_242, %parallel_loop3A_240, %parallel_loop3A_237 : vector<16xi1>, vector<16xi32>
      %parallel_loop3A_244 = arith.cmpi slt, %parallel_loop3A_243, %parallel_loop3A_192 : vector<16xi32>
      %parallel_loop3A_245 = arith.constant 12672 : i32
      %parallel_loop3A_246 = vector.broadcast %parallel_loop3A_245 : i32 to vector<16xi32>
      %parallel_loop3A_247 = arith.addi %parallel_loop3A_192, %parallel_loop3A_246 : vector<16xi32>
      %parallel_loop3A_248 = arith.select %parallel_loop3A_244, %parallel_loop3A_247, %parallel_loop3A_243 : vector<16xi1>, vector<16xi32>
      %parallel_loop3A_249 = arith.constant 12544 : i32
      %parallel_loop3A_250 = vector.broadcast %parallel_loop3A_249 : i32 to vector<16xi32>
      %parallel_loop3A_251 = arith.addi %parallel_loop3A_192, %parallel_loop3A_250 : vector<16xi32>
      %parallel_loop3A_252 = arith.minsi %parallel_loop3A_248, %parallel_loop3A_251 : vector<16xi32>
      %parallel_loop3A_253 = arith.constant 32 : i32
      %parallel_loop3A_254 = vector.broadcast %parallel_loop3A_253 : i32 to vector<16xi32>
      %parallel_loop3A_255 = arith.addi %parallel_loop3A_248, %parallel_loop3A_254 : vector<16xi32>
      %parallel_loop3A_256 = tpu.vector_load_idx %arg8[%parallel_loop3A_255] : memref<16384xf32, #tpu.memory_space<vmem>>[vector<16xi32>], vector<16xf32>,
      %parallel_loop3A_257 = arith.constant 64 : i32
      %parallel_loop3A_258 = vector.broadcast %parallel_loop3A_257 : i32 to vector<16xi32>
      %parallel_loop3A_259 = arith.addi %parallel_loop3A_252, %parallel_loop3A_258 : vector<16xi32>
      %parallel_loop3A_260 = tpu.vector_load_idx %arg8[%parallel_loop3A_259] : memref<16384xf32, #tpu.memory_space<vmem>>[vector<16xi32>], vector<16xf32>,
      %parallel_loop3A_261 = arith.mulf %parallel_loop3A_260, %parallel_loop3A_195 : vector<16xf32>
      %parallel_loop3A_262 = arith.addf %parallel_loop3A_256, %parallel_loop3A_261 : vector<16xf32>
      %parallel_loop3A_263 = arith.index_cast %parallel_loop3A_189 : i32 to index
      %parallel_loop3A_264 = arith.constant 0 : index
      %parallel_loop3A_265 = tpu.vector_load %arg10[%parallel_loop3A_263, %parallel_loop3A_264] {strides = array<i32>} : memref<128x32xf32, #tpu.memory_space<vmem>>, vector<16xf32>,
      tpu.vector_store %arg10[%parallel_loop3A_263, %parallel_loop3A_264], %parallel_loop3A_262 {strides = array<i32>} : memref<128x32xf32, #tpu.memory_space<vmem>>, vector<16xf32>,
      %parallel_loop3A_266 = arith.constant 16 : i32
      %parallel_loop3A_267 = vector.broadcast %parallel_loop3A_266 : i32 to vector<16xi32>
      %parallel_loop3A_268 = arith.addi %iota3A, %parallel_loop3A_267 : vector<16xi32>
      %parallel_loop3A_269 = arith.index_cast %parallel_loop3A_189 : i32 to index
      %parallel_loop3A_270 = arith.constant 16 : index
      %parallel_loop3A_271 = tpu.vector_load %arg9[%parallel_loop3A_269, %parallel_loop3A_270] {strides = array<i32>} : memref<128x32xf32, #tpu.memory_space<vmem>>, vector<16xf32>,
      %parallel_loop3A_272 = arith.constant 8064 : i32
      %parallel_loop3A_273 = vector.broadcast %parallel_loop3A_272 : i32 to vector<16xi32>
      %parallel_loop3A_274 = arith.addi %parallel_loop3A_268, %parallel_loop3A_273 : vector<16xi32>
      %parallel_loop3A_275 = tpu.vector_load_idx %arg8[%parallel_loop3A_274] : memref<16384xf32, #tpu.memory_space<vmem>>[vector<16xi32>], vector<16xf32>,
      %parallel_loop3A_276 = arith.cmpf ole, %parallel_loop3A_275, %parallel_loop3A_271 : vector<16xf32>
      %parallel_loop3A_277 = arith.constant 8064 : i32
      %parallel_loop3A_278 = vector.broadcast %parallel_loop3A_277 : i32 to vector<16xi32>
      %parallel_loop3A_279 = arith.addi %parallel_loop3A_268, %parallel_loop3A_278 : vector<16xi32>
      %parallel_loop3A_280 = arith.constant 128 : i32
      %parallel_loop3A_281 = vector.broadcast %parallel_loop3A_280 : i32 to vector<16xi32>
      %parallel_loop3A_282 = arith.subi %parallel_loop3A_268, %parallel_loop3A_281 : vector<16xi32>
      %parallel_loop3A_283 = arith.select %parallel_loop3A_276, %parallel_loop3A_279, %parallel_loop3A_282 : vector<16xi1>, vector<16xi32>
      %parallel_loop3A_284 = arith.constant 4096 : i32
      %parallel_loop3A_285 = vector.broadcast %parallel_loop3A_284 : i32 to vector<16xi32>
      %parallel_loop3A_286 = arith.addi %parallel_loop3A_283, %parallel_loop3A_285 : vector<16xi32>
      %parallel_loop3A_287 = tpu.vector_load_idx %arg8[%parallel_loop3A_286] : memref<16384xf32, #tpu.memory_space<vmem>>[vector<16xi32>], vector<16xf32>,
      %parallel_loop3A_288 = arith.cmpf ole, %parallel_loop3A_287, %parallel_loop3A_271 : vector<16xf32>
      %parallel_loop3A_289 = arith.select %parallel_loop3A_288, %parallel_loop3A_286, %parallel_loop3A_283 : vector<16xi1>, vector<16xi32>
      %parallel_loop3A_290 = arith.constant 2048 : i32
      %parallel_loop3A_291 = vector.broadcast %parallel_loop3A_290 : i32 to vector<16xi32>
      %parallel_loop3A_292 = arith.addi %parallel_loop3A_289, %parallel_loop3A_291 : vector<16xi32>
      %parallel_loop3A_293 = tpu.vector_load_idx %arg8[%parallel_loop3A_292] : memref<16384xf32, #tpu.memory_space<vmem>>[vector<16xi32>], vector<16xf32>,
      %parallel_loop3A_294 = arith.cmpf ole, %parallel_loop3A_293, %parallel_loop3A_271 : vector<16xf32>
      %parallel_loop3A_295 = arith.select %parallel_loop3A_294, %parallel_loop3A_292, %parallel_loop3A_289 : vector<16xi1>, vector<16xi32>
      %parallel_loop3A_296 = arith.constant 1024 : i32
      %parallel_loop3A_297 = vector.broadcast %parallel_loop3A_296 : i32 to vector<16xi32>
      %parallel_loop3A_298 = arith.addi %parallel_loop3A_295, %parallel_loop3A_297 : vector<16xi32>
      %parallel_loop3A_299 = tpu.vector_load_idx %arg8[%parallel_loop3A_298] : memref<16384xf32, #tpu.memory_space<vmem>>[vector<16xi32>], vector<16xf32>,
      %parallel_loop3A_300 = arith.cmpf ole, %parallel_loop3A_299, %parallel_loop3A_271 : vector<16xf32>
      %parallel_loop3A_301 = arith.select %parallel_loop3A_300, %parallel_loop3A_298, %parallel_loop3A_295 : vector<16xi1>, vector<16xi32>
      %parallel_loop3A_302 = arith.constant 512 : i32
      %parallel_loop3A_303 = vector.broadcast %parallel_loop3A_302 : i32 to vector<16xi32>
      %parallel_loop3A_304 = arith.addi %parallel_loop3A_301, %parallel_loop3A_303 : vector<16xi32>
      %parallel_loop3A_305 = tpu.vector_load_idx %arg8[%parallel_loop3A_304] : memref<16384xf32, #tpu.memory_space<vmem>>[vector<16xi32>], vector<16xf32>,
      %parallel_loop3A_306 = arith.cmpf ole, %parallel_loop3A_305, %parallel_loop3A_271 : vector<16xf32>
      %parallel_loop3A_307 = arith.select %parallel_loop3A_306, %parallel_loop3A_304, %parallel_loop3A_301 : vector<16xi1>, vector<16xi32>
      %parallel_loop3A_308 = arith.constant 256 : i32
      %parallel_loop3A_309 = vector.broadcast %parallel_loop3A_308 : i32 to vector<16xi32>
      %parallel_loop3A_310 = arith.addi %parallel_loop3A_307, %parallel_loop3A_309 : vector<16xi32>
      %parallel_loop3A_311 = tpu.vector_load_idx %arg8[%parallel_loop3A_310] : memref<16384xf32, #tpu.memory_space<vmem>>[vector<16xi32>], vector<16xf32>,
      %parallel_loop3A_312 = arith.cmpf ole, %parallel_loop3A_311, %parallel_loop3A_271 : vector<16xf32>
      %parallel_loop3A_313 = arith.select %parallel_loop3A_312, %parallel_loop3A_310, %parallel_loop3A_307 : vector<16xi1>, vector<16xi32>
      %parallel_loop3A_314 = arith.constant 128 : i32
      %parallel_loop3A_315 = vector.broadcast %parallel_loop3A_314 : i32 to vector<16xi32>
      %parallel_loop3A_316 = arith.addi %parallel_loop3A_313, %parallel_loop3A_315 : vector<16xi32>
      %parallel_loop3A_317 = tpu.vector_load_idx %arg8[%parallel_loop3A_316] : memref<16384xf32, #tpu.memory_space<vmem>>[vector<16xi32>], vector<16xf32>,
      %parallel_loop3A_318 = arith.cmpf ole, %parallel_loop3A_317, %parallel_loop3A_271 : vector<16xf32>
      %parallel_loop3A_319 = arith.select %parallel_loop3A_318, %parallel_loop3A_316, %parallel_loop3A_313 : vector<16xi1>, vector<16xi32>
      %parallel_loop3A_320 = arith.cmpi slt, %parallel_loop3A_319, %parallel_loop3A_268 : vector<16xi32>
      %parallel_loop3A_321 = arith.constant 12672 : i32
      %parallel_loop3A_322 = vector.broadcast %parallel_loop3A_321 : i32 to vector<16xi32>
      %parallel_loop3A_323 = arith.addi %parallel_loop3A_268, %parallel_loop3A_322 : vector<16xi32>
      %parallel_loop3A_324 = arith.select %parallel_loop3A_320, %parallel_loop3A_323, %parallel_loop3A_319 : vector<16xi1>, vector<16xi32>
      %parallel_loop3A_325 = arith.constant 12544 : i32
      %parallel_loop3A_326 = vector.broadcast %parallel_loop3A_325 : i32 to vector<16xi32>
      %parallel_loop3A_327 = arith.addi %parallel_loop3A_268, %parallel_loop3A_326 : vector<16xi32>
      %parallel_loop3A_328 = arith.minsi %parallel_loop3A_324, %parallel_loop3A_327 : vector<16xi32>
      %parallel_loop3A_329 = arith.constant 32 : i32
      %parallel_loop3A_330 = vector.broadcast %parallel_loop3A_329 : i32 to vector<16xi32>
      %parallel_loop3A_331 = arith.addi %parallel_loop3A_324, %parallel_loop3A_330 : vector<16xi32>
      %parallel_loop3A_332 = tpu.vector_load_idx %arg8[%parallel_loop3A_331] : memref<16384xf32, #tpu.memory_space<vmem>>[vector<16xi32>], vector<16xf32>,
      %parallel_loop3A_333 = arith.constant 64 : i32
      %parallel_loop3A_334 = vector.broadcast %parallel_loop3A_333 : i32 to vector<16xi32>
      %parallel_loop3A_335 = arith.addi %parallel_loop3A_328, %parallel_loop3A_334 : vector<16xi32>
      %parallel_loop3A_336 = tpu.vector_load_idx %arg8[%parallel_loop3A_335] : memref<16384xf32, #tpu.memory_space<vmem>>[vector<16xi32>], vector<16xf32>,
      %parallel_loop3A_337 = arith.mulf %parallel_loop3A_336, %parallel_loop3A_271 : vector<16xf32>
      %parallel_loop3A_338 = arith.addf %parallel_loop3A_332, %parallel_loop3A_337 : vector<16xf32>
      %parallel_loop3A_339 = arith.index_cast %parallel_loop3A_189 : i32 to index
      %parallel_loop3A_340 = arith.constant 16 : index
      %parallel_loop3A_341 = tpu.vector_load %arg10[%parallel_loop3A_339, %parallel_loop3A_340] {strides = array<i32>} : memref<128x32xf32, #tpu.memory_space<vmem>>, vector<16xf32>,
      tpu.vector_store %arg10[%parallel_loop3A_339, %parallel_loop3A_340], %parallel_loop3A_338 {strides = array<i32>} : memref<128x32xf32, #tpu.memory_space<vmem>>, vector<16xf32>,
    } {sc.loop_unroll_factor = 2 : i64, sc.parallel_access}
    "tpu.region"() ({
      %run_scoped3A = tpu.sem_alloc : memref<!tpu.dma_semaphore, #tpu.memory_space<semaphore_mem>>
      %dma_start3A_189 = arith.constant 0 : i32
      %dma_start3A_190 = tpu.memref_slice %arg5[%dma_start3A_189, %multiple_of3A] : memref<128x1024xf32, #tpu.memory_space<hbm>> -> memref<128x32xf32, #tpu.memory_space<hbm>>
      %dma_start3A_191 = arith.constant 0 : i32
      %dma_start3A_192 = tpu.memref_slice %arg5[%dma_start3A_191, %multiple_of3A] : memref<128x1024xf32, #tpu.memory_space<hbm>> -> memref<128x32xf32, #tpu.memory_space<hbm>>
      tpu.enqueue_dma source(%arg10 : memref<128x32xf32, #tpu.memory_space<vmem>>) target(%dma_start3A_192 : memref<128x32xf32, #tpu.memory_space<hbm>>) target_semaphore(%run_scoped3A : memref<!tpu.dma_semaphore, #tpu.memory_space<semaphore_mem>>)
      %dma_wait3A_193 = arith.constant 0 : i32
      %dma_wait3A_194 = tpu.memref_slice %arg5[%dma_wait3A_193, %multiple_of3A] : memref<128x1024xf32, #tpu.memory_space<hbm>> -> memref<128x32xf32, #tpu.memory_space<hbm>>
      %dma_wait3A_195 = arith.constant 0 : i32
      %dma_wait3A_196 = tpu.memref_slice %arg5[%dma_wait3A_195, %multiple_of3A] : memref<128x1024xf32, #tpu.memory_space<hbm>> -> memref<128x32xf32, #tpu.memory_space<hbm>>
      tpu.wait_dma2 semaphore(%run_scoped3A : memref<!tpu.dma_semaphore, #tpu.memory_space<semaphore_mem>>) src(%arg10 : memref<128x32xf32, #tpu.memory_space<vmem>>) dst(%dma_wait3A_196 : memref<128x32xf32, #tpu.memory_space<hbm>>)
      tpu.yield
    }) : () -> ()
    return
  }
}

</mosaic_0001>

<sc_bundles>
// kernel: kernel.3.cloned.1.call-start
scs
__scs_entry_jumppad:
0x0: {  	(pc) =	sbr.rel $0x88, $3  }
0x1: {  	(tag) =	ssettag $0x0;
	lr =	simm.s32 $0x1  }
0x2: {  	[smem:$0x3F9E] =	sst lr;
	_ =	strace $0xD0000000  }
0x3: {  	_ = 	snop  }
0x4: {  	_ = 	snop  }
0x5: {  	_ = 	snop  }
0x6: {  	_ = 	snop  }
0x7: {  	_ = 	snop  }
__scs_overlays_trampoline_lowered:
0x8: {  	[smem:$0x3FAD] =	sst s0  }
0x9: {  	[smem:$0x3FAE] =	sst s1  }
0xa: {  	[smem:$0x3FAF] =	sst s2  }
0xb: {  	[smem:$0x3FB0] =	sst s3  }
0xc: {  	[smem:$0x3FB1] =	sst s4  }
0xd: {  	[smem:$0x3FB2] =	sst s5  }
0xe: {  	[smem:$0x3FB3] =	sst s6  }
0xf: {  	[smem:$0x3FB4] =	sst s7  }
0x10: {  	[smem:$0x3FB5] =	sst s8  }
0x11: {  	[smem:$0x3FB6] =	sst s9;
	s0 =	simm.s32 @!p0 $0x0  }
0x12: {  	s1 =	sld [smem:$0x3F9C];
	s0 =	simm.s32 @p0 $0x1  }
0x13: {  	[smem:$0x3FB7] =	sst s0;
	s0 =	simm.s32 @!p1 $0x0  }
0x14: {  	s2 =	sld [smem:$0x3F9B];
	s0 =	simm.s32 @p1 $0x1  }
0x15: {  	[smem:$0x3FB8] =	sst s0;
	s0 =	simm.s32 @!p2 $0x0  }
0x16: {  	s3 =	sld [smem:$0x3FDB];
	s0 =	simm.s32 @p2 $0x1  }
0x17: {  	s4 =	simm.s32 $0x1BF5;
	[smem:$0x3FBA] =	sst s0  }
0x18: {  	s0 =	sld [smem:$0x3F9D];
	_ =	swait.ge [sflag:s4], $0x0  }
0x19: {  	s7 =	sld [smem:$0x3F9E]  }
0x1a: {  	s8 =	sadd.s32 $0xFFFFE003, lr  }
0x1b: {  	s9 =	sadd.s32 $0xFFFFFEF7, lr;
	s5 =	simm.s32 $0xFFFFFFFF;
	p2 =	slt.u32 s8, $0xFFFFF086  }
0x1c: {  	p1 =	slt.u32 s9, $0xF7A;
	s5 =	simm.s32 @!p2 $0x0  }
0x1d: {  	s5 =	simm.s32 @p1 $0x1;
	p0 =	seq.s32 s7, s2  }
0x1e: {  	s7 =	smul.u32 @!p0 $0xF7A, s2;
	p2 =	seq.s32 @!p0 s5, $0x0  }
0x1f: {  	s9 =	smul.u32 $0xF7A, s1;
	s8 =	simm.s32 @!p0 $0x1BF5;
	p2 =	por !p2, p0  }
0x20: {  	[sflag:s8] =	ssyncset.s32 @!p0 $0xFFFFF086;
	s6 =	sadd.s32 @!p0 s3, s7;
	s7 =	simm.s32 @!p0 $0x108  }
0x21: {  	s3 =	sadd.s32 s3, s9;
	s6 =	sadd.s32 @!p0 $0x88, s6;
	s7 =	simm.s32 @p2 $0x1082  }
0x22: {  	[simem:s7], [sflag:s8] =	dma.local @!p0 [hbm:s6], $0xF7A  }
0x23: {  	s9 =	sor.u32 $0xD0000000, s2;
	s6 =	simm.s32 $0x108;
	_ =	swait.ge @!p0 [sflag:s8], $0x0  }
0x24: {  	s3 =	sadd.s32 $0x88, s3;
	s6 =	simm.s32 @!p1 $0x1082;
	[sflag:s4] =	ssyncset.s32 $0xFFFFF086  }
0x25: {  	[simem:s6], [sflag:s4] =	dma.local [hbm:s3], $0xF7A  }
0x26: {  	[smem:$0x3F9E] =	sst s1;
	(tag) =	ssettag s2;
	_ =	strace s9  }
0x27: {  	s1 =	sld [smem:$0x3FAE]  }
0x28: {  	s2 =	sld [smem:$0x3FAF]  }
0x29: {  	s4 =	sld [smem:$0x3FB1]  }
0x2a: {  	p0 =	seq.s32 s5, $0x0;
	s5 =	sld [smem:$0x3FB2]  }
0x2b: {  	s6 =	sld [smem:$0x3FB3]  }
0x2c: {  	s7 =	sld [smem:$0x3FB4]  }
0x2d: {  	s3 =	simm.s32 $0x108;
	s8 =	sld [smem:$0x3FB5]  }
0x2e: {  	s3 =	simm.s32 @!p0 $0x1082;
	s9 =	sld [smem:$0x3FB6]  }
0x2f: {  	lr =	sadd.s32 s0, s3;
	s0 =	sld [smem:$0x3FAD]  }
0x30: {  	s3 =	sld [smem:$0x3FB0]  }
0x31: {  	[smem:$0x3FB9] =	sst s10  }
0x32: {  	s10 =	sld [smem:$0x3FB7];
	_ =	sdelay $0x3  }
0x33: {  	p0 =	seq.s32 s10, $0x1;
	s10 =	sld [smem:$0x3FB9];
	_ =	sdelay $0x3  }
0x34: {  	[smem:$0x3FB9] =	sst s10  }
0x35: {  	s10 =	sld [smem:$0x3FB8];
	_ =	sdelay $0x3  }
0x36: {  	p1 =	seq.s32 s10, $0x1;
	s10 =	sld [smem:$0x3FB9];
	_ =	sdelay $0x3  }
0x37: {  	[smem:$0x3FB9] =	sst s10  }
0x38: {  	s10 =	sld [smem:$0x3FBA]  }
0x39: {  	_ = 	snop;
	(pc) =	sbr.ind lr, $3  }
0x3a: {  	_ = 	snop  }
0x3b: {  	_ = 	snop  }
0x3c: {  	p2 =	seq.s32 s10, $0x1;
	s10 =	sld [smem:$0x3FB9]  }
0x3d: {  	_ =	shalt  }
0x3e: {  	_ =	shalt  }
0x3f: {  	_ =	shalt  }
0x40: {  	_ =	shalt  }
0x41: {  	_ =	shalt  }
0x42: {  	_ =	shalt  }
0x43: {  	_ =	shalt  }
0x44: {  	_ =	shalt  }
0x45: {  	_ =	shalt  }
0x46: {  	_ =	shalt  }
0x47: {  	_ =	shalt  }
0x48: {  	_ =	shalt  }
0x49: {  	_ =	shalt  }
0x4a: {  	_ =	shalt  }
0x4b: {  	_ =	shalt  }
0x4c: {  	_ =	shalt  }
0x4d: {  	_ =	shalt  }
0x4e: {  	_ =	shalt  }
0x4f: {  	_ =	shalt  }
0x50: {  	_ =	shalt  }
0x51: {  	_ =	shalt  }
0x52: {  	_ =	shalt  }
0x53: {  	_ =	shalt  }
0x54: {  	_ =	shalt  }
0x55: {  	_ =	shalt  }
0x56: {  	_ =	shalt  }
0x57: {  	_ =	shalt  }
0x58: {  	_ =	shalt  }
0x59: {  	_ =	shalt  }
0x5a: {  	_ =	shalt  }
0x5b: {  	_ =	shalt  }
0x5c: {  	_ =	shalt  }
0x5d: {  	_ =	shalt  }
0x5e: {  	_ =	shalt  }
0x5f: {  	_ =	shalt  }
0x60: {  	_ =	shalt  }
0x61: {  	_ =	shalt  }
0x62: {  	_ =	shalt  }
0x63: {  	_ =	shalt  }
0x64: {  	_ =	shalt  }
0x65: {  	_ =	shalt  }
0x66: {  	_ =	shalt  }
0x67: {  	_ =	shalt  }
0x68: {  	_ =	shalt  }
0x69: {  	_ =	shalt  }
0x6a: {  	_ =	shalt  }
0x6b: {  	_ =	shalt  }
0x6c: {  	_ =	shalt  }
0x6d: {  	_ =	shalt  }
0x6e: {  	_ =	shalt  }
0x6f: {  	_ =	shalt  }
0x70: {  	_ =	shalt  }
0x71: {  	_ =	shalt  }
0x72: {  	_ =	shalt  }
0x73: {  	_ =	shalt  }
0x74: {  	_ =	shalt  }
0x75: {  	_ =	shalt  }
0x76: {  	_ =	shalt  }
0x77: {  	_ =	shalt  }
0x78: {  	_ =	shalt  }
0x79: {  	_ =	shalt  }
0x7a: {  	_ =	shalt  }
0x7b: {  	_ =	shalt  }
0x7c: {  	_ =	shalt  }
0x7d: {  	_ =	shalt  }
0x7e: {  	_ =	shalt  }
0x7f: {  	_ =	shalt  }
0x80: {  	_ =	shalt  }
0x81: {  	_ =	shalt  }
0x82: {  	_ =	shalt  }
0x83: {  	_ =	shalt  }
0x84: {  	_ =	shalt  }
0x85: {  	_ =	shalt  }
0x86: {  	_ =	shalt  }
0x87: {  	_ =	shalt  }
.Lfunc_end0:
.L_simem_size_0:
called_computation_lowered:
.L_overlay_start_0:
0x88: {  	s2 =	sld [smem:$0x3FD9]  }
0x89: {  	s3 =	sld [smem:$0x3FFE];
	_ =	sdelay $0x1  }
0x8a: {  	s1 =	srdreg.scid  }
0x8b: {  	s0 =	sand.u32 $0x1, s1  }
0x8c: {  	s17 =	sshll.u32 s0, $0xA;
	s2 =	sadd.s32 s3, s2  }
0x8d: {  	s2 =	sadd.s32 s2, s17  }
0x8e: {  	[smem:$0x3FC5] =	sst s2  }
0x8f: {  	_ = 	snop  }
0x90: {  	s2 =	sld [smem:$0x3FD0];
	(tm) =	ssettm $0x1  }
0x91: {  	s18 =	sld [smem:$0x3FFB];
	_ =	sdelay $0x3  }
0x92: {  	_ =	strace s18  }
0x93: {  	s3 =	sld [smem:$0x3FFC];
	_ =	sdelay $0x3  }
0x94: {  	_ =	strace s3  }
0x95: {  	s3 =	sld [smem:$0x3FFD];
	_ =	sdelay $0x3  }
0x96: {  	_ =	strace s3  }
0x97: {  	_ =	strace $0x8FFFFFFF  }
0x98: {  	s19 =	sld [smem:$0x3FDB];
	_ =	sdelay $0x1  }
0x99: {  	s4 =	simm.s32 $_scs_section_size  }
0x9a: {  	s5 =	simm.s32 $_size__tile_overlayer_lowered;
	s6 =	simm.s32 $_tile_overlayer_lowered  }
0x9b: {  	s22 =	simm.s32 $0x1BFF;
	s21 =	sshll.u32 s6, $0x1;
	s3 =	sadd.s32 s4, s19  }
0x9c: {  	s7 =	simm.s32 $0x0;
	s20 =	sshll.u32 s5, $0x1;
	s5 =	sadd.s32 s21, s3  }
0x9d: {  	[timem:s7], [sflag:s22] =	dma.local [hbm:s5], s20  }
0x9e: {  	_ =	swait.ge [sflag:s22], s20  }
0x9f: {  	s4 =	ssub.s32 $0x0, s20;
	[sflag:s22] =	ssyncset.done $0x0  }
0xa0: {  	[sflag:s22] =	ssyncadd.s32 s4;
	_ =	sdelay $0x1  }
0xa1: {  	s23 =	simm.s32 $0x1B8B  }
0xa2: {  	_ =	swait.ge [sflag:s23], $0x1  }
0xa3: {  	[sflag:s23] =	ssyncset.done $0x0  }
0xa4: {  	s25 =	simm.s32 $0x1B8E;
	s24 =	sld [smem:$0x3FFE];
	[sflag:s23] =	ssyncadd.s32 $0xFFFFFFFF  }
0xa5: {  	s26 =	simm.s32 $execute0_lowered;
	[smem:$0x3FD2] =	sst s25  }
0xa6: {  	s5 =	sshll.u32 s26, $0x1;
	_ =	strace $0x80000046;
	[dreg:$0x1] =	wrdreg $0xFFFFFFFF  }
0xa7: {  	s28 =	simm.s32 $_size_execute0_lowered;
	s3 =	sadd.s32 s3, s5;
	[dreg:$0x0] =	wrdreg $0x0  }
0xa8: {  	s5 =	sshll.u32 s28, $0x1;
	[dreg:$0x2] =	wrdreg s3  }
0xa9: {  	[dreg:$0x3] =	wrdreg s5  }
0xaa: {  	[dreg:$0x4] =	wrdreg $0xC0  }
0xab: {  	_ =	task [dreg:s7], $0x5FFFF  }
0xac: {  	[dreg:$0x1] =	wrdreg $0xFFFFFFFF  }
0xad: {  	[dreg:$0x0] =	wrdreg $0x60  }
0xae: {  	[dreg:$0x2] =	wrdreg s24  }
0xaf: {  	[dreg:$0x3] =	wrdreg s2  }
0xb0: {  	[dreg:$0x4] =	wrdreg $0x9  }
0xb1: {  	_ =	task.clear_ibuf [dreg:s7], $0x5FFFF;
	_ =	strace $0x90000046  }
0xb2: {  	s29 =	simm.s32 $0x9;
	_ =	strace $0x80000048  }
0xb3: {  	_ =	swait.ge [sflag:s29], $0x1  }
0xb4: {  	[sflag:s29] =	ssyncadd.s32 $0xFFFFFFFF  }
0xb5: {  	_ =	strace $0x90000048  }
0xb6: {  	_ =	sfence  }
0xb7: {  	s30 =	sld [smem:$0x0];
	_ =	sdelay $0x2  }
0xb8: {  	s31 =	sshll.u32 s1, $0xD;
	s1 =	sshrl.u32 s1, $0x2  }
0xb9: {  	s3 =	sand.u32 $0x4000, s31;
	s1 =	sadd.s32 s1, s30  }
0xba: {  	s0 =	sor.u32 s3, s0;
	s1 =	sshll.u32 s1, $0x11  }
0xbb: {  	s0 =	sor.u32 s1, s0  }
0xbc: {  	s0 =	sadd.s32 $0x8F2B, s0  }
0xbd: {  	[sflag:s0] =	ssyncadd.remote.s32 $0x1  }
0xbe: {  	_ =	sfence.sel $0xFFFF  }
0xbf: {  	[dreg:$0x0] =	wrdreg $0xFFFFFFFF;
	(pc) =	sbr.abs _section_cstart, $3  }
0xc0: {  	[dreg:$0x1] =	wrdreg $0xFFFFFFFF  }
0xc1: {  	_ =	task.clear_ibuf [dreg:s7], $0x2FFFF;
	_ =	strace $0x9FFFFFFF  }
0xc2: {  	(tm) =	ssettm $0x7FFFFFFF  }
0xc3: {  	_ =	shalt  }
tec
execute0_lowered:
.L_overlay_start_1:
0x0: {  	(tag) =	ssettag $0x1  }
0x1: {  	s3 =	rddreg [dreg:$0x0]  }
0x2: {  	s5 =	rddreg [dreg:$0x1]  }
0x3: {  	s0 =	rddreg [dreg:$0x2];
	s4 =	srdreg.scid  }
0x4: {  	s2 =	simm.s32 $0x0;
	s1 =	stileid.u32;
	s9 =	simm.s32 $0x400  }
0x5: {  	s10 =	simm.s32 $0xC80;
	s11 =	simm.s32 $0x5900;
	s12 =	simm.s32 $0x1  }
0x6: {  	s13 =	simm.s32 $0x2;
	s14 =	simm.s32 $0x1900;
	s15 =	simm.s32 $0x6900  }
0x7: {  	v0 =	vlaneseq.u32;
	s16 =	simm.s32 $0x3;
	s17 =	simm.s32 $0x0;
	s4 =	sand.u32 $0x1, s4  }
0x8: {  	s6 =	sshll.u32 s1, $0x3;
	v2 =	vor.u32 $0x1F80, v0;
	s7 =	sshll.u32 s4, $0x2;
	s4 =	ssub.s32 $0x2, s4  }
0x9: {  	v1 =	vimm.f32 $+Inf;
	[smem:$0x7FF] =	sst s2;
	s6 =	sor.u32 s7, s6;
	s31 =	sshrl.u32 s4, $0x1  }
0xa: {  	v3 =	vor.u32 $0xFFFFFF80, v0;
	v4 =	vand.u32 $0x7, v0;
	v5 =	vor.u32 $0x3180, v0;
	_ =	strace $0x80000047;
	s8 =	sadd.s32 s6, s3;
	s7 =	ssub.s32 s4, s31  }
0xb: {  	v6 =	vor.u32 $0x3100, v0;
	v7 =	vor.u32 $0x1F90, v0;
	v8 =	vor.u32 $0xFFFFFF90, v0;
	s5 =	sadd.s32 s5, s6;
	s3 =	sadd.s32 $0x800, s8;
	s4 =	sadd.s32 $0x3A00, s8  }
0xc: {  	v9 =	vor.u32 $0x10, v0;
	v10 =	vor.u32 $0x3190, v0;
	v11 =	vor.u32 $0x3110, v0;
	s6 =	sadd.s32 $0x6C00, s8;
	s7 =	smax.u32 s7, $0x1;
	s8 =	simm.s32 $0x20  }
.LBB2_1:
0xd: {  	[tilespmem:s2], [sflag:$0x1] =	stream.strided.gather [hbm4b:s3+s8], $0xC80, s9, s8, $0x38;
	[tilespmem:$0x7900] =	vst v63  }
0xe: {  	_ = 	snop  }
0xf: {  	[tilespmem:s10], [sflag:$0x1] =	stream.strided.gather [hbm4b:s4+s8], $0xC80, s9, s8, $0x38;
	[tilespmem:$0x7900] =	vst v63  }
0x10: {  	_ = 	snop  }
0x11: {  	[tilespmem:s11], [sflag:$0x2] =	stream.strided.gather [hbm4b:s5+s8], $0x1000, s9, s8, $0x38;
	[tilespmem:$0x7900] =	vst v63  }
0x12: {  	_ =	swait.ge [sflag:s12], $0xC80  }
0x13: {  	[sflag:s12] =	ssyncset.done $0x0  }
0x14: {  	[sflag:s12] =	ssyncadd.s32 $0xFFFFF380  }
0x15: {  	_ =	swait.ge [sflag:s12], $0xC80  }
0x16: {  	[sflag:s12] =	ssyncset.done $0x0  }
0x17: {  	s22 =	simm.s32 $0x50;
	[sflag:s12] =	ssyncadd.s32 $0xFFFFF380  }
0x18: {  	v12 =	vld [tilespmem:s22+$0x10]  }
0x19: {  	v13 =	vld [tilespmem:s22+$0x30];
	_ =	sdelay $0x4  }
0x1a: {  	v13 =	vsub.f32 v13, v12  }
0x1b: {  	v15 =	vld [tilespmem:s22+$0xFFFFFFD0]  }
0x1c: {  	v18 =	vld [tilespmem:s22+$0xFFFFFFF0];
	(erf) = vrcp.f32 v13  }
0x1d: {  	s20 =	simm.s32 $0xCD0;
	v16 =	vld [tilespmem:s22+$0xFFFFFFB0]  }
0x1e: {  	v17 =	vld [tilespmem:s20+$0x10]  }
0x1f: {  	v19 =	vld [tilespmem:s20+$0x30];
	_ =	sdelay $0x1  }
0x20: {  	v13 =	vsub.f32 v18, v15  }
0x21: {  	v14 =	vsub.f32 v15, v16  }
0x22: {  	(erf) = vrcp.f32 v13  }
0x23: {  	(erf) = vrcp.f32 v14;
	v14 =	vsub.f32 v19, v17  }
0x24: {  	v19 =	vpop (erf)  }
0x25: {  	v20 =	vld [tilespmem:s20+$0xFFFFFFD0];
	v14 =	vmul.f32 v14, v19  }
0x26: {  	v13 =	vld [tilespmem:s20+$0xFFFFFFB0]  }
0x27: {  	v21 =	vmul.f32 v14, v12  }
0x28: {  	s18 =	simm.s32 $0x1A00;
	v19 =	vsub.f32 v12, v18  }
0x29: {  	[tilespmem:s18+$0x80] =	vst v12;
	v12 =	vsub.f32 v17, v21  }
0x2a: {  	(erf) = vrcp.f32 v19;
	[tilespmem:s18+$0xC0] =	vst v14;
	v21 =	vld [tilespmem:s20+$0xFFFFFFF0]  }
0x2b: {  	v22 =	vsub.f32 v20, v13;
	v23 =	vpop (erf);
	[tilespmem:s18+$0xA0] =	vst v12  }
0x2c: {  	v19 =	vpop (erf);
	v24 =	vld [tilespmem:s22+$0x20]  }
0x2d: {  	s21 =	simm.s32 $0xD0;
	v19 =	vmul.f32 v22, v19;
	v22 =	vld [tilespmem:s22+$0x40]  }
0x2e: {  	v25 =	vld [tilespmem:s21+$0x10]  }
0x2f: {  	v26 =	vld [tilespmem:s21+$0x30];
	v12 =	vmul.f32 v19, v16;
	[tilespmem:s18+$0xFFFFFF40] =	vst v19;
	v19 =	vsub.f32 v21, v20  }
0x30: {  	v14 =	vld [tilespmem:s21+$0xFFFFFFF0]  }
0x31: {  	v12 =	vsub.f32 v13, v12;
	v13 =	vld [tilespmem:s21+$0xFFFFFFD0]  }
0x32: {  	[tilespmem:s18+$0xFFFFFF00] =	vst v16;
	v27 =	vsub.f32 v17, v21;
	v17 =	vld [tilespmem:s21+$0xFFFFFFB0];
	v22 =	vsub.f32 v22, v24  }
0x33: {  	[tilespmem:s18+$0xFFFFFF20] =	vst v12;
	v16 =	vmul.f32 v23, v19;
	v19 =	vpop (erf)  }
0x34: {  	v23 =	vsub.f32 v26, v25;
	v12 =	vld [tilespmem:s22+$0xFFFFFFC0];
	v19 =	vmul.f32 v27, v19;
	(erf) = vrcp.f32 v22  }
0x35: {  	v26 =	vld [tilespmem:s22+$0xFFFFFFE0];
	v27 =	vmul.f32 v16, v15  }
0x36: {  	v30 =	vld [tilespmem:s20+$0x20];
	v29 =	vsub.f32 v14, v13;
	(erf) = vrcp.f32 v23;
	v22 =	vmul.f32 v19, v18  }
0x37: {  	s19 =	simm.s32 $0xD50;
	v23 =	vsub.f32 v13, v17;
	v20 =	vsub.f32 v20, v27;
	v27 =	vld [tilespmem:s20+$0x40]  }
0x38: {  	v28 =	vld [tilespmem:s19+$0x10];
	[tilespmem:s18+$0xFFFFFFC0] =	vst v16;
	(erf) = vrcp.f32 v29;
	v16 =	vsub.f32 v21, v22;
	v21 =	vsub.f32 v25, v14  }
0x39: {  	[tilespmem:s18+$0x0] =	vst v18;
	v29 =	vld [tilespmem:s19+$0x30];
	(erf) = vrcp.f32 v23  }
0x3a: {  	v23 =	vld [tilespmem:s19+$0xFFFFFFD0];
	[tilespmem:s18+$0x20] =	vst v16;
	(erf) = vrcp.f32 v21;
	v16 =	vsub.f32 v26, v12  }
0x3b: {  	[tilespmem:s18+$0xFFFFFF80] =	vst v15;
	v22 =	vld [tilespmem:s19+$0xFFFFFFB0]  }
0x3c: {  	[tilespmem:s18+$0xFFFFFFA0] =	vst v20;
	v21 =	vld [tilespmem:s19+$0xFFFFFFF0];
	v18 =	vsub.f32 v27, v30;
	(erf) = vrcp.f32 v16  }
0x3d: {  	[tilespmem:s18+$0x40] =	vst v19;
	v19 =	vld [tilespmem:s22+$0x0];
	v26 =	vpop (erf)  }
0x3e: {  	v20 =	vsub.f32 v29, v28;
	v15 =	vld [tilespmem:s22+$0x0];
	v18 =	vmul.f32 v18, v26  }
0x3f: {  	v16 =	vld [tilespmem:s22+$0xFFFFFFE0];
	v27 =	vpop (erf)  }
0x40: {  	[tilespmem:s18+$0x90] =	vst v24;
	v31 =	vld [tilespmem:s22+$0x20];
	s22 =	simm.s32 $0x1C00;
	v26 =	vmul.f32 v20, v27  }
0x41: {  	[tilespmem:s22+$0x80] =	vst v25;
	v20 =	vld [tilespmem:s20+$0xFFFFFFC0];
	v27 =	vsub.f32 v23, v22;
	v32 =	vsub.f32 v21, v23;
	v33 =	vpop (erf);
	v34 =	vmul.f32 v18, v24  }
0x42: {  	v35 =	vsub.f32 v28, v21;
	[tilespmem:s18+$0xD0] =	vst v18;
	v24 =	vld [tilespmem:s20+$0xFFFFFFE0];
	v36 =	vmul.f32 v26, v25;
	v18 =	vpop (erf)  }
0x43: {  	[tilespmem:s22+$0xC0] =	vst v26;
	v26 =	vld [tilespmem:s20+$0x0];
	v37 =	vsub.f32 v30, v34;
	v29 =	vmul.f32 v27, v18;
	v27 =	vmul.f32 v33, v32;
	v25 =	vpop (erf)  }
0x44: {  	[tilespmem:s18+$0xFFFFFF10] =	vst v12;
	v30 =	vsub.f32 v19, v16;
	v18 =	vld [tilespmem:s20+$0xFFFFFFE0];
	v33 =	vsub.f32 v28, v36;
	v25 =	vmul.f32 v35, v25  }
0x45: {  	s23 =	simm.s32 $0x4;
	s24 =	simm.s32 $0x150;
	v31 =	vsub.f32 v31, v15;
	v19 =	vld [tilespmem:s20+$0x0];
	[tilespmem:s18+$0xB0] =	vst v37;
	v34 =	vmul.f32 v29, v17;
	v32 =	vmul.f32 v27, v13;
	v28 =	vpop (erf)  }
.LBB2_2:
0x46: {  	v35 =	vld [tilespmem:s24+$0x10];
	v36 =	vmul.f32 v25, v14;
	[tilespmem:s22+$0xA0] =	vst v33;
	(erf) = vrcp.f32 v30  }
0x47: {  	v22 =	vsub.f32 v22, v34;
	[tilespmem:s22+$0xFFFFFF40] =	vst v29;
	v23 =	vsub.f32 v23, v32;
	v29 =	vld [tilespmem:s21+$0x20];
	(erf) = vrcp.f32 v31  }
0x48: {  	v24 =	vsub.f32 v24, v20;
	[tilespmem:s22+$0xFFFFFFC0] =	vst v27;
	v21 =	vsub.f32 v21, v36;
	v27 =	vld [tilespmem:s21+$0x40]  }
0x49: {  	v30 =	vld [tilespmem:s24+$0x30];
	[tilespmem:s22+$0xFFFFFF20] =	vst v22;
	v22 =	vsub.f32 v26, v18  }
0x4a: {  	s23 =	sadd.s32 $0x4, s23;
	v26 =	vld [tilespmem:s24+$0xFFFFFFD0];
	[tilespmem:s22+$0xFFFFFFA0] =	vst v23;
	v23 =	vmul.f32 v24, v28  }
0x4b: {  	p0 =	slt.u32 s23, $0x5C;
	v24 =	vld [tilespmem:s24+$0xFFFFFFF0];
	[tilespmem:s22+$0x20] =	vst v21  }
0x4c: {  	v21 =	vld [tilespmem:s24+$0xFFFFFFB0];
	[tilespmem:s22+$0x40] =	vst v25;
	v25 =	vmul.f32 v23, v12  }
0x4d: {  	[tilespmem:s22+$0xFFFFFF00] =	vst v17;
	v17 =	vsub.f32 v27, v29;
	v27 =	vld [tilespmem:s20+$0x20];
	s20 =	smov.u32 s19  }
0x4e: {  	v28 =	vsub.f32 v30, v35;
	v12 =	vld [tilespmem:s21+$0xFFFFFFC0];
	[tilespmem:s22+$0xFFFFFF80] =	vst v13;
	v32 =	vsub.f32 v20, v25  }
0x4f: {  	s19 =	sadd.s32 $0x80, s19;
	v25 =	vld [tilespmem:s21+$0xFFFFFFE0];
	[tilespmem:s22+$0x0] =	vst v14;
	(erf) = vrcp.f32 v17;
	v14 =	vpop (erf);
	v13 =	vmov v26  }
0x50: {  	v26 =	vsub.f32 v24, v13;
	v30 =	vld [tilespmem:s19+$0x10];
	v31 =	vsub.f32 v35, v24;
	(erf) = vrcp.f32 v28;
	[tilespmem:s18+$0xFFFFFF30] =	vst v32;
	v20 =	vpop (erf)  }
0x51: {  	v22 =	vmul.f32 v22, v14;
	v14 =	vmovc v24;
	v28 =	vsub.f32 v13, v21;
	v32 =	vld [tilespmem:s20+$0x20];
	[tilespmem:s18+$0xFFFFFF50] =	vst v23;
	v17 =	vmov v21  }
0x52: {  	(erf) = vrcp.f32 v26;
	v24 =	vld [tilespmem:s20+$0x40];
	[tilespmem:s18+$0xFFFFFF90] =	vst v16;
	v21 =	vsub.f32 v27, v19  }
0x53: {  	v16 =	vmul.f32 v22, v16;
	v26 =	vld [tilespmem:s19+$0x30];
	(erf) = vrcp.f32 v28;
	[tilespmem:s18+$0xFFFFFFD0] =	vst v22  }
0x54: {  	v22 =	vld [tilespmem:s19+$0xFFFFFFB0];
	(erf) = vrcp.f32 v31;
	v25 =	vsub.f32 v25, v12;
	v20 =	vmul.f32 v21, v20;
	[tilespmem:s18+$0x10] =	vst v15  }
0x55: {  	v18 =	vsub.f32 v18, v16;
	v23 =	vld [tilespmem:s19+$0xFFFFFFD0];
	[tilespmem:s22+$0x90] =	vst v29  }
0x56: {  	v21 =	vld [tilespmem:s19+$0xFFFFFFF0];
	(erf) = vrcp.f32 v25;
	v15 =	vmul.f32 v20, v15;
	[tilespmem:s18+$0x50] =	vst v20  }
0x57: {  	v16 =	vld [tilespmem:s21+$0xFFFFFFE0];
	v20 =	vsub.f32 v24, v32;
	[tilespmem:s18+$0xFFFFFFB0] =	vst v18  }
0x58: {  	v18 =	vsub.f32 v26, v30;
	v28 =	vld [tilespmem:s21+$0x0];
	v24 =	vpop (erf);
	v19 =	vsub.f32 v19, v15  }
0x59: {  	v25 =	vpop (erf);
	v15 =	vld [tilespmem:s21+$0x0];
	v24 =	vmul.f32 v20, v24  }
0x5a: {  	v26 =	vsub.f32 v23, v22;
	v31 =	vmul.f32 v18, v25;
	v36 =	vld [tilespmem:s21+$0x20];
	[tilespmem:s18+$0x30] =	vst v19;
	s18 =	smov.u32 s22;
	s21 =	smov.u32 s24  }
.Ltmp0:
0x5b: {  	v18 =	vsub.f32 v21, v23;
	v19 =	vsub.f32 v30, v21;
	v25 =	vpop (erf);
	v20 =	vld [tilespmem:s20+$0xFFFFFFC0];
	v33 =	vmul.f32 v24, v29;
	[tilespmem:s22+$0xD0] =	vst v24;
	(pc) =	sbr.rel @p0 .LBB2_2-.Ltmp0, $4  }
0x5c: {  	s22 =	sadd.s32 $0x200, s22;
	v34 =	vmul.f32 v31, v35;
	v27 =	vpop (erf);
	v24 =	vld [tilespmem:s20+$0xFFFFFFE0];
	[tilespmem:s18+$0xFFFFFF10] =	vst v12  }
0x5d: {  	v29 =	vmul.f32 v26, v27;
	v27 =	vmul.f32 v25, v18;
	[tilespmem:s22+$0x80] =	vst v35;
	v25 =	vpop (erf);
	v18 =	vld [tilespmem:s20+$0xFFFFFFE0];
	v35 =	vsub.f32 v32, v33  }
0x5e: {  	v25 =	vmul.f32 v19, v25;
	v33 =	vsub.f32 v30, v34;
	[tilespmem:s22+$0xC0] =	vst v31;
	v26 =	vld [tilespmem:s20+$0x0];
	v30 =	vsub.f32 v28, v16  }
0x5f: {  	s24 =	sadd.s32 $0x80, s24;
	v34 =	vmul.f32 v29, v17;
	v32 =	vmul.f32 v27, v13;
	v19 =	vld [tilespmem:s20+$0x0];
	v31 =	vsub.f32 v36, v15;
	[tilespmem:s18+$0xB0] =	vst v35;
	v28 =	vpop (erf)  }
0x60: {  	[tilespmem:s22+$0xA0] =	vst v33  }
0x61: {  	[tilespmem:s22+$0xFFFFFF40] =	vst v29;
	v22 =	vsub.f32 v22, v34  }
0x62: {  	[tilespmem:s22+$0xFFFFFF00] =	vst v17;
	v29 =	vld [tilespmem:s21+$0x20]  }
0x63: {  	v33 =	vld [tilespmem:s21+$0x40];
	[tilespmem:s22+$0xFFFFFF20] =	vst v22  }
0x64: {  	[tilespmem:s22+$0xFFFFFFC0] =	vst v27;
	v57 =	vsub.f32 v23, v32;
	v23 =	vld [tilespmem:s21+$0xFFFFFFC0]  }
0x65: {  	v56 =	vmul.f32 v25, v14;
	[tilespmem:s22+$0xFFFFFF80] =	vst v13;
	v58 =	vld [tilespmem:s21+$0xFFFFFFE0]  }
0x66: {  	[tilespmem:s22+$0x40] =	vst v25  }
0x67: {  	v59 =	vld [tilespmem:s20+$0x20];
	v21 =	vsub.f32 v21, v56;
	[tilespmem:s22+$0xFFFFFFA0] =	vst v57  }
0x68: {  	(erf) = vrcp.f32 v30;
	[tilespmem:s22+$0x0] =	vst v14;
	v63 =	vld [tilespmem:s21+$0xFFFFFFE0]  }
0x69: {  	(erf) = vrcp.f32 v31;
	[tilespmem:s22+$0x20] =	vst v21;
	v34 =	vld [tilespmem:s21+$0x0];
	v62 =	vsub.f32 v33, v29  }
0x6a: {  	v35 =	vld [tilespmem:s21+$0x0];
	v33 =	vsub.f32 v58, v23  }
0x6b: {  	v36 =	vld [tilespmem:s21+$0x20];
	(erf) = vrcp.f32 v62  }
0x6c: {  	v60 =	vsub.f32 v24, v20;
	v61 =	vld [tilespmem:s19+$0x20];
	(erf) = vrcp.f32 v33  }
0x6d: {  	v37 =	vld [tilespmem:s19+$0x40]  }
0x6e: {  	v21 =	vmul.f32 v60, v28;
	v38 =	vld [tilespmem:s19+$0xFFFFFFC0]  }
0x6f: {  	[tilespmem:s18+$0xFFFFFF90] =	vst v16;
	v39 =	vld [tilespmem:s19+$0xFFFFFFE0];
	v41 =	vsub.f32 v34, v63  }
0x70: {  	[tilespmem:s18+$0x10] =	vst v15;
	v12 =	vmul.f32 v21, v12;
	v14 =	vsub.f32 v36, v35  }
0x71: {  	v26 =	vsub.f32 v26, v18;
	[tilespmem:s18+$0xFFFFFF50] =	vst v21;
	v30 =	vpop (erf);
	(erf) = vrcp.f32 v41  }
0x72: {  	v46 =	vld [tilespmem:s19+$0xFFFFFFE0];
	v40 =	vsub.f32 v59, v19;
	[tilespmem:s22+$0x90] =	vst v29;
	v12 =	vsub.f32 v20, v12;
	v42 =	vpop (erf);
	(erf) = vrcp.f32 v14  }
0x73: {  	v49 =	vld [tilespmem:s19+$0x0];
	v45 =	vsub.f32 v37, v61;
	[tilespmem:s22+$0xFFFFFF10] =	vst v23;
	v43 =	vmul.f32 v26, v30  }
0x74: {  	v51 =	vld [tilespmem:s19+$0x0];
	v50 =	vsub.f32 v39, v38;
	[tilespmem:s18+$0xFFFFFF30] =	vst v12;
	v12 =	vmul.f32 v40, v42;
	v47 =	vpop (erf)  }
0x75: {  	v55 =	vld [tilespmem:s19+$0x20];
	[tilespmem:s22+$0xFFFFFF90] =	vst v63;
	v44 =	vmul.f32 v43, v16;
	v14 =	vmul.f32 v45, v47;
	v52 =	vpop (erf)  }
0x76: {  	[tilespmem:s22+$0x10] =	vst v35;
	v48 =	vmul.f32 v12, v15;
	v54 =	vmul.f32 v50, v52  }
0x77: {  	[tilespmem:s18+$0xFFFFFFD0] =	vst v43;
	v16 =	vsub.f32 v18, v44;
	v56 =	vmul.f32 v14, v29  }
0x78: {  	[tilespmem:s18+$0x50] =	vst v12;
	v53 =	vsub.f32 v19, v48;
	v57 =	vmul.f32 v54, v23  }
0x79: {  	v58 =	vsub.f32 v49, v46;
	[tilespmem:s18+$0xFFFFFFB0] =	vst v16;
	v13 =	vsub.f32 v61, v56  }
0x7a: {  	v60 =	vsub.f32 v55, v51;
	[tilespmem:s18+$0x30] =	vst v53;
	v59 =	vpop (erf);
	v12 =	vsub.f32 v38, v57  }
0x7b: {  	v61 =	vpop (erf);
	[tilespmem:s22+$0xB0] =	vst v13;
	v13 =	vmul.f32 v58, v59  }
0x7c: {  	[tilespmem:s22+$0xFFFFFF30] =	vst v12;
	v12 =	vmul.f32 v60, v61  }
0x7d: {  	[tilespmem:s22+$0xD0] =	vst v14;
	v14 =	vmul.f32 v13, v63  }
0x7e: {  	[tilespmem:s22+$0xFFFFFF50] =	vst v54;
	v62 =	vmul.f32 v12, v35  }
0x7f: {  	[tilespmem:s22+$0xFFFFFFD0] =	vst v13;
	v14 =	vsub.f32 v46, v14  }
0x80: {  	[tilespmem:s22+$0x50] =	vst v12;
	v63 =	vsub.f32 v51, v62  }
0x81: {  	[tilespmem:s22+$0xFFFFFFB0] =	vst v14  }
0x82: {  	s19 =	simm.s32 $0x4950;
	s18 =	simm.s32 $0x0;
	[tilespmem:s22+$0x30] =	vst v63  }
.LBB2_4:
0x83: {  	s20 =	sshra.s32 s18, $0x2  }
0x84: {  	v12 =	vld [tilespmem:s20+$0xC00]  }
0x85: {  	v13 =	vld [tilespmem:s20+$0xC20];
	_ =	sdelay $0x4  }
0x86: {  	v13 =	vsub.f32 v13, v12;
	_ =	sdelay $0x1  }
0x87: {  	(erf) = vrcp.f32 v13;
	_ =	sdelay $0x1  }
0x88: {  	v61 =	vld [tilespmem:s20+$0x1880]  }
0x89: {  	v14 =	vld [tilespmem:s20+$0x18A0];
	_ =	sdelay $0x4  }
0x8a: {  	v14 =	vsub.f32 v14, v61  }
0x8b: {  	v15 =	vpop (erf)  }
0x8c: {  	v14 =	vmul.f32 v14, v15;
	_ =	sdelay $0x1  }
0x8d: {  	v15 =	vmul.f32 v14, v12;
	_ =	sdelay $0x1  }
0x8e: {  	[tilespmem:s19+$0xFFFFFFB0] =	vst v12;
	v13 =	vsub.f32 v61, v15  }
0x8f: {  	[tilespmem:s19+$0xFFFFFFF0] =	vst v14  }
0x90: {  	[tilespmem:s19+$0xFFFFFFD0] =	vst v13  }
0x91: {  	v12 =	vld [tilespmem:s20+$0xC10]  }
0x92: {  	v13 =	vld [tilespmem:s20+$0xC30];
	_ =	sdelay $0x4  }
0x93: {  	v13 =	vsub.f32 v13, v12;
	_ =	sdelay $0x1  }
0x94: {  	(erf) = vrcp.f32 v13;
	_ =	sdelay $0x1  }
0x95: {  	v62 =	vld [tilespmem:s20+$0x1890]  }
0x96: {  	v14 =	vld [tilespmem:s20+$0x18B0];
	_ =	sdelay $0x4  }
0x97: {  	v14 =	vsub.f32 v14, v62  }
0x98: {  	v63 =	vpop (erf)  }
0x99: {  	v14 =	vmul.f32 v14, v63  }
0x9a: {  	p0 =	sne.s32 s18, $0x100  }
.Ltmp1:
0x9b: {  	v15 =	vmul.f32 v14, v12;
	(pc) =	sbr.rel @p0 .LBB2_4-.Ltmp1, $4  }
0x9c: {  	_ = 	snop  }
0x9d: {  	[tilespmem:s19+$0xFFFFFFC0] =	vst v12;
	v13 =	vsub.f32 v62, v15  }
0x9e: {  	[tilespmem:s19+$0x0] =	vst v14  }
0x9f: {  	s18 =	sadd.s32 $0x80, s18;
	[tilespmem:s19+$0xFFFFFFE0] =	vst v13;
	s19 =	sadd.s32 $0x80, s19  }
0xa0: {  	[tilespmem:$0x4B00] =	vst v1  }
0xa1: {  	[tilespmem:$0x4B10] =	vst v1  }
0xa2: {  	[tilespmem:$0x4B80] =	vst v1  }
0xa3: {  	[tilespmem:$0x4B90] =	vst v1  }
0xa4: {  	[tilespmem:$0x4C00] =	vst v1  }
0xa5: {  	[tilespmem:$0x4C10] =	vst v1  }
0xa6: {  	[tilespmem:$0x4C80] =	vst v1  }
0xa7: {  	[tilespmem:$0x4C90] =	vst v1  }
0xa8: {  	[tilespmem:$0x4D00] =	vst v1  }
0xa9: {  	[tilespmem:$0x4D10] =	vst v1  }
0xaa: {  	[tilespmem:$0x4D80] =	vst v1  }
0xab: {  	[tilespmem:$0x4D90] =	vst v1  }
0xac: {  	[tilespmem:$0x4E00] =	vst v1  }
0xad: {  	[tilespmem:$0x4E10] =	vst v1  }
0xae: {  	[tilespmem:$0x4E80] =	vst v1  }
0xaf: {  	[tilespmem:$0x4E90] =	vst v1  }
0xb0: {  	[tilespmem:$0x4F00] =	vst v1  }
0xb1: {  	[tilespmem:$0x4F10] =	vst v1  }
0xb2: {  	[tilespmem:$0x4F80] =	vst v1  }
0xb3: {  	[tilespmem:$0x4F90] =	vst v1  }
0xb4: {  	[tilespmem:$0x5000] =	vst v1  }
0xb5: {  	[tilespmem:$0x5010] =	vst v1  }
0xb6: {  	[tilespmem:$0x5080] =	vst v1  }
0xb7: {  	[tilespmem:$0x5090] =	vst v1  }
0xb8: {  	[tilespmem:$0x5100] =	vst v1  }
0xb9: {  	[tilespmem:$0x5110] =	vst v1  }
0xba: {  	[tilespmem:$0x5180] =	vst v1  }
0xbb: {  	[tilespmem:$0x5190] =	vst v1  }
0xbc: {  	[tilespmem:$0x5200] =	vst v1  }
0xbd: {  	[tilespmem:$0x5210] =	vst v1  }
0xbe: {  	[tilespmem:$0x5280] =	vst v1  }
0xbf: {  	[tilespmem:$0x5290] =	vst v1  }
0xc0: {  	[tilespmem:$0x5300] =	vst v1  }
0xc1: {  	v12 =	vld [tilespmem:$0xC40];
	[tilespmem:$0x5310] =	vst v1  }
0xc2: {  	v13 =	vld [tilespmem:$0xC60];
	[tilespmem:$0x5380] =	vst v1  }
0xc3: {  	v14 =	vld [tilespmem:$0xC50];
	[tilespmem:$0x5390] =	vst v1  }
0xc4: {  	v15 =	vld [tilespmem:$0xC70];
	[tilespmem:$0x5400] =	vst v1  }
0xc5: {  	[tilespmem:$0x5410] =	vst v1  }
0xc6: {  	[tilespmem:$0x5480] =	vst v1  }
0xc7: {  	[tilespmem:$0x5490] =	vst v1;
	v12 =	vsub.f32 v13, v12  }
0xc8: {  	[tilespmem:$0x5500] =	vst v1  }
0xc9: {  	[tilespmem:$0x5510] =	vst v1;
	(erf) = vrcp.f32 v12;
	v12 =	vsub.f32 v15, v14  }
0xca: {  	[tilespmem:$0x5580] =	vst v1  }
0xcb: {  	[tilespmem:$0x5590] =	vst v1;
	v14 =	vld [tilespmem:$0x18C0];
	(erf) = vrcp.f32 v12  }
0xcc: {  	[tilespmem:$0x5600] =	vst v1;
	v12 =	vld [tilespmem:$0x18E0]  }
0xcd: {  	v16 =	vld [tilespmem:$0x18D0];
	[tilespmem:$0x5610] =	vst v1  }
0xce: {  	v17 =	vld [tilespmem:$0x18F0];
	[tilespmem:$0x5680] =	vst v1  }
0xcf: {  	[tilespmem:$0x5690] =	vst v1  }
0xd0: {  	[tilespmem:$0x5700] =	vst v1  }
0xd1: {  	[tilespmem:$0x5710] =	vst v1;
	v14 =	vsub.f32 v12, v14  }
0xd2: {  	[tilespmem:$0x5780] =	vst v1;
	v18 =	vpop (erf)  }
0xd3: {  	[tilespmem:$0x5790] =	vst v1;
	v16 =	vsub.f32 v17, v16;
	v14 =	vmul.f32 v14, v18  }
0xd4: {  	[tilespmem:$0x5800] =	vst v1;
	v18 =	vpop (erf)  }
0xd5: {  	[tilespmem:$0x5810] =	vst v1;
	v14 =	vmul.f32 v14, v13;
	v16 =	vmul.f32 v16, v18  }
0xd6: {  	[tilespmem:$0x5880] =	vst v1  }
0xd7: {  	[tilespmem:$0x5890] =	vst v1;
	v12 =	vsub.f32 v12, v14;
	v14 =	vmul.f32 v16, v15  }
0xd8: {  	[tilespmem:$0x4A80] =	vst v13  }
0xd9: {  	[tilespmem:$0x4AA0] =	vst v12;
	v12 =	vsub.f32 v17, v14  }
0xda: {  	[tilespmem:$0x4A90] =	vst v15  }
0xdb: {  	[tilespmem:$0x4AB0] =	vst v12  }
0xdc: {  	_ =	swait.ge [sflag:s13], $0x1000  }
0xdd: {  	[sflag:s13] =	ssyncset.done $0x0  }
0xde: {  	[sflag:s13] =	ssyncadd.s32 $0xFFFFF000  }
0xdf: {  	s19 =	simm.s32 $0x5920;
	v13 =	vld.idx.msk [tilespmem:v2+s14+$0x0], $0xffff  }
0xe0: {  	v15 =	vld [tilespmem:s19+$0x0];
	_ =	sdelay $0x4  }
0xe1: {  	vm0 =	vle.f32 v13, v15  }
0xe2: {  	v12 =	vsel vm0, v2, v3  }
0xe3: {  	v14 =	vadd.s32 $0x1000, v12  }
0xe4: {  	v16 =	vand.u32 $0xFFFFEF88, v14  }
0xe5: {  	v16 =	vor.u32 v4, v16;
	_ =	sdelay $0x4  }
0xe6: {  	v16 =	vld.idx.msk [tilespmem:v16+s14+$0x0], $0xffff;
	_ =	sdelay $0x4  }
0xe7: {  	vm0 =	vle.f32 v16, v15  }
0xe8: {  	v14 =	vsel vm0, v14, v12  }
0xe9: {  	v16 =	vadd.s32 $0x800, v14  }
0xea: {  	v17 =	vand.u32 $0x7, v14;
	v12 =	vand.u32 $0xFFFFF788, v16  }
0xeb: {  	v17 =	vor.u32 v17, v12;
	_ =	sdelay $0x1  }
0xec: {  	v12 =	vld [tilespmem:s19+$0xFFFFFFE0];
	_ =	sdelay $0x2  }
0xed: {  	v17 =	vld.idx.msk [tilespmem:v17+s14+$0x0], $0xffff;
	_ =	sdelay $0x1  }
0xee: {  	vm0 =	vle.f32 v13, v12  }
0xef: {  	v13 =	vsel vm0, v2, v3  }
0xf0: {  	v18 =	vadd.s32 $0x1000, v13  }
0xf1: {  	v19 =	vand.u32 $0xFFFFEF88, v18;
	vm0 =	vle.f32 v17, v15  }
0xf2: {  	v17 =	vor.u32 v4, v19;
	v14 =	vsel vm0, v16, v14  }
0xf3: {  	v16 =	vadd.s32 $0x400, v14;
	_ =	sdelay $0x2  }
0xf4: {  	v21 =	vld.idx.msk [tilespmem:v2+s14+$0x0], $0xffff  }
0xf5: {  	v19 =	vld.idx.msk [tilespmem:v17+s14+$0x0], $0xffff  }
0xf6: {  	s20 =	simm.s32 $0x5960;
	v20 =	vld.idx.msk [tilespmem:v16+s14+$0x0], $0xffff  }
0xf7: {  	v17 =	vld [tilespmem:s20+$0x0];
	_ =	sdelay $0x3  }
0xf8: {  	vm0 =	vle.f32 v19, v12;
	vm1 =	vle.f32 v20, v15  }
0xf9: {  	v13 =	vsel vm0, v18, v13;
	vm0 =	vle.f32 v21, v17;
	v14 =	vsel vm1, v16, v14  }
0xfa: {  	v19 =	vsel vm0, v2, v3;
	v16 =	vadd.s32 $0x800, v13;
	v18 =	vadd.s32 $0x200, v14  }
0xfb: {  	v22 =	vand.u32 $0x7, v13;
	v23 =	vadd.s32 $0x1000, v19;
	v20 =	vand.u32 $0xFFFFF788, v16  }
0xfc: {  	v20 =	vor.u32 v22, v20;
	v22 =	vand.u32 $0xFFFFEF88, v23  }
0xfd: {  	v22 =	vor.u32 v4, v22;
	_ =	sdelay $0x1  }
0xfe: {  	v24 =	vld.idx.msk [tilespmem:v18+s14+$0x0], $0xffff;
	_ =	sdelay $0x1  }
0xff: {  	v20 =	vld.idx.msk [tilespmem:v20+s14+$0x0], $0xffff  }
0x100: {  	v22 =	vld.idx.msk [tilespmem:v22+s14+$0x0], $0xffff;
	_ =	sdelay $0x1  }
0x101: {  	vm0 =	vle.f32 v24, v15  }
0x102: {  	v14 =	vsel vm0, v18, v14  }
0x103: {  	vm0 =	vle.f32 v20, v12;
	v18 =	vadd.s32 $0x100, v14  }
0x104: {  	v16 =	vsel vm0, v16, v13;
	vm0 =	vle.f32 v22, v17  }
0x105: {  	v13 =	vld [tilespmem:s20+$0xFFFFFFE0];
	v19 =	vsel vm0, v23, v19  }
0x106: {  	v20 =	vadd.s32 $0x400, v16;
	v22 =	vadd.s32 $0x800, v19  }
0x107: {  	v24 =	vand.u32 $0x7, v19;
	v23 =	vand.u32 $0xFFFFF788, v22  }
0x108: {  	v23 =	vor.u32 v24, v23;
	v24 =	vld.idx.msk [tilespmem:v18+s14+$0x0], $0xffff;
	_ =	sdelay $0x1  }
0x109: {  	vm0 =	vle.f32 v21, v13  }
0x10a: {  	v21 =	vld.idx.msk [tilespmem:v20+s14+$0x0], $0xffff;
	v25 =	vsel vm0, v2, v3  }
0x10b: {  	v26 =	vadd.s32 $0x1000, v25  }
0x10c: {  	v27 =	vand.u32 $0xFFFFEF88, v26;
	v23 =	vld.idx.msk [tilespmem:v23+s14+$0x0], $0xffff;
	vm0 =	vle.f32 v24, v15  }
0x10d: {  	v27 =	vor.u32 v4, v27;
	v14 =	vsel vm0, v18, v14  }
0x10e: {  	v18 =	vadd.s32 $0x80, v14  }
0x10f: {  	vm0 =	vle.f32 v21, v12  }
0x110: {  	v16 =	vsel vm0, v20, v16  }
0x111: {  	v20 =	vadd.s32 $0x200, v16;
	vm0 =	vle.f32 v23, v17  }
0x112: {  	v21 =	vld.idx.msk [tilespmem:v27+s14+$0x0], $0xffff;
	v22 =	vsel vm0, v22, v19  }
0x113: {  	v23 =	vadd.s32 $0x400, v22;
	v19 =	vld.idx.msk [tilespmem:v18+s14+$0x0], $0xffff;
	_ =	sdelay $0x2  }
0x114: {  	v24 =	vld.idx.msk [tilespmem:v20+s14+$0x0], $0xffff  }
0x115: {  	vm0 =	vle.f32 v21, v13  }
0x116: {  	v21 =	vsel vm0, v26, v25;
	v26 =	vld.idx.msk [tilespmem:v23+s14+$0x0], $0xffff;
	vm0 =	vle.f32 v19, v15  }
0x117: {  	s21 =	simm.s32 $0x59A0;
	v28 =	vld.idx.msk [tilespmem:v2+s14+$0x0], $0xffff;
	v25 =	vadd.s32 $0x800, v21;
	v14 =	vsel vm0, v18, v14  }
0x118: {  	v27 =	vand.u32 $0xFFFFF788, v25;
	v19 =	vld [tilespmem:s21+$0x0];
	v18 =	vand.u32 $0x7, v21;
	vm1 =	vlt.s32 v14, v0  }
0x119: {  	vm0 =	vle.f32 v24, v12;
	v18 =	vor.u32 v18, v27;
	v14 =	vsel vm1, v5, v14  }
0x11a: {  	v16 =	vsel vm0, v20, v16;
	vm0 =	vlt.s32 v14, v6  }
0x11b: {  	v20 =	vadd.s32 $0x100, v16;
	vm1 =	vle.f32 v26, v17;
	v24 =	vsel vm0, v14, v6  }
0x11c: {  	v22 =	vsel vm1, v23, v22;
	v23 =	vadd.s32 $0x40, v24  }
0x11d: {  	vm0 =	vle.f32 v28, v19;
	v24 =	vadd.s32 $0x200, v22  }
0x11e: {  	v27 =	vadd.s32 $0x20, v14;
	v26 =	vsel vm0, v2, v3;
	v18 =	vld.idx.msk [tilespmem:v18+s14+$0x0], $0xffff  }
0x11f: {  	v14 =	vld [tilespmem:s21+$0xFFFFFFE0];
	v30 =	vadd.s32 $0x1000, v26  }
0x120: {  	v29 =	vld.idx.msk [tilespmem:v20+s14+$0x0], $0xffff;
	v31 =	vand.u32 $0xFFFFEF88, v30  }
0x121: {  	v31 =	vor.u32 v4, v31;
	v23 =	vld.idx.msk [tilespmem:v23+s14+$0x0], $0xffff  }
0x122: {  	v32 =	vld.idx.msk [tilespmem:v24+s14+$0x0], $0xffff  }
0x123: {  	vm0 =	vle.f32 v18, v13;
	v18 =	vld.idx.msk [tilespmem:v27+s14+$0x0], $0xffff  }
0x124: {  	v21 =	vsel vm0, v25, v21  }
0x125: {  	vm0 =	vle.f32 v29, v12;
	v25 =	vadd.s32 $0x400, v21  }
0x126: {  	v16 =	vsel vm0, v20, v16;
	v20 =	vld.idx.msk [tilespmem:v31+s14+$0x0], $0xffff;
	v15 =	vmul.f32 v23, v15  }
0x127: {  	vm0 =	vle.f32 v28, v14  }
0x128: {  	v23 =	vadd.s32 $0x80, v16;
	vm1 =	vle.f32 v32, v17;
	v15 =	vadd.f32 v15, v18  }
0x129: {  	s18 =	simm.s32 $0x6920;
	v22 =	vsel vm1, v24, v22;
	v18 =	vsel vm0, v2, v3  }
0x12a: {  	v28 =	vadd.s32 $0x100, v22;
	v24 =	vld.idx.msk [tilespmem:v25+s14+$0x0], $0xffff;
	v27 =	vadd.s32 $0x1000, v18;
	[tilespmem:s18+$0x0] =	vst v15  }
0x12b: {  	vm0 =	vle.f32 v20, v19;
	v15 =	vand.u32 $0xFFFFEF88, v27;
	v20 =	vld.idx.msk [tilespmem:v7+s14+$0x0], $0xffff  }
0x12c: {  	v26 =	vsel vm0, v30, v26;
	v29 =	vor.u32 v4, v15;
	v15 =	vld [tilespmem:s19+$0x10]  }
0x12d: {  	v30 =	vld.idx.msk [tilespmem:v23+s14+$0x0], $0xffff;
	v31 =	vadd.s32 $0x800, v26  }
0x12e: {  	v33 =	vand.u32 $0x7, v26;
	v55 =	vand.u32 $0xFFFFF788, v31  }
0x12f: {  	v32 =	vor.u32 v33, v55;
	v56 =	vld.idx.msk [tilespmem:v28+s14+$0x0], $0xffff  }
0x130: {  	vm0 =	vle.f32 v24, v13  }
0x131: {  	v21 =	vsel vm0, v25, v21;
	v24 =	vld.idx.msk [tilespmem:v29+s14+$0x0], $0xffff;
	vm0 =	vle.f32 v20, v15  }
0x132: {  	v20 =	vadd.s32 $0x200, v21;
	vm1 =	vle.f32 v30, v12;
	v25 =	vsel vm0, v7, v8  }
0x133: {  	v16 =	vsel vm1, v23, v16;
	v23 =	vadd.s32 $0x1000, v25  }
0x134: {  	vm0 =	vlt.s32 v16, v0;
	v29 =	vld.idx.msk [tilespmem:v32+s14+$0x0], $0xffff;
	vm1 =	vle.f32 v56, v17;
	v30 =	vand.u32 $0xFFFFEF98, v23  }
0x135: {  	v16 =	vsel vm0, v5, v16;
	v22 =	vsel vm1, v28, v22;
	v30 =	vor.u32 v4, v30  }
0x136: {  	vm0 =	vlt.s32 v16, v6;
	vm1 =	vle.f32 v24, v14;
	v24 =	vadd.s32 $0x80, v22  }
0x137: {  	v28 =	vld.idx.msk [tilespmem:v20+s14+$0x0], $0xffff;
	v57 =	vsel vm0, v16, v6;
	v18 =	vsel vm1, v27, v18  }
0x138: {  	v16 =	vadd.s32 $0x20, v16;
	v27 =	vadd.s32 $0x40, v57;
	v58 =	vadd.s32 $0x800, v18  }
0x139: {  	v34 =	vand.u32 $0x7, v18;
	vm0 =	vle.f32 v29, v19;
	v59 =	vand.u32 $0xFFFFF788, v58  }
0x13a: {  	v26 =	vsel vm0, v31, v26;
	v29 =	vor.u32 v34, v59;
	v30 =	vld.idx.msk [tilespmem:v30+s14+$0x0], $0xffff  }
0x13b: {  	v31 =	vadd.s32 $0x400, v26;
	v60 =	vld.idx.msk [tilespmem:v24+s14+$0x0], $0xffff  }
0x13c: {  	vm0 =	vle.f32 v28, v13  }
0x13d: {  	v16 =	vld.idx.msk [tilespmem:v16+s14+$0x0], $0xffff;
	v20 =	vsel vm0, v20, v21  }
0x13e: {  	v21 =	vld.idx.msk [tilespmem:v27+s14+$0x0], $0xffff;
	v27 =	vadd.s32 $0x100, v20  }
0x13f: {  	v28 =	vld.idx.msk [tilespmem:v29+s14+$0x0], $0xffff;
	vm0 =	vle.f32 v30, v15  }
0x140: {  	v29 =	vld.idx.msk [tilespmem:v31+s14+$0x0], $0xffff;
	v23 =	vsel vm0, v23, v25;
	vm0 =	vle.f32 v60, v17  }
0x141: {  	s22 =	simm.s32 $0x59E0;
	v25 =	vld.idx.msk [tilespmem:v2+s14+$0x0], $0xffff;
	v30 =	vadd.s32 $0x800, v23;
	v24 =	vsel vm0, v24, v22  }
0x142: {  	v22 =	vld [tilespmem:s22+$0x0];
	v62 =	vand.u32 $0x7, v23;
	v61 =	vand.u32 $0xFFFFF798, v30;
	vm0 =	vlt.s32 v24, v0  }
0x143: {  	v12 =	vmul.f32 v21, v12;
	v21 =	vld.idx.msk [tilespmem:v27+s14+$0x0], $0xffff;
	v33 =	vor.u32 v62, v61;
	v24 =	vsel vm0, v5, v24  }
0x144: {  	vm0 =	vlt.s32 v24, v6  }
0x145: {  	v12 =	vadd.f32 v12, v16;
	v16 =	vld [tilespmem:s22+$0xFFFFFFE0];
	vm1 =	vle.f32 v29, v19;
	v29 =	vsel vm0, v24, v6  }
0x146: {  	vm0 =	vle.f32 v28, v14;
	v26 =	vsel vm1, v31, v26;
	v28 =	vadd.s32 $0x40, v29  }
0x147: {  	v24 =	vadd.s32 $0x20, v24;
	v18 =	vsel vm0, v58, v18;
	vm0 =	vle.f32 v25, v22  }
0x148: {  	[tilespmem:s18+$0xFFFFFFE0] =	vst v12;
	v29 =	vadd.s32 $0x200, v26;
	vm1 =	vle.f32 v21, v13;
	v31 =	vsel vm0, v2, v3;
	v21 =	vld.idx.msk [tilespmem:v33+s14+$0x0], $0xffff  }
0x149: {  	v63 =	vld.idx.msk [tilespmem:v7+s14+$0x0], $0xffff;
	v42 =	vadd.s32 $0x400, v18;
	v20 =	vsel vm1, v27, v20;
	v27 =	vadd.s32 $0x1000, v31  }
0x14a: {  	v12 =	vld [tilespmem:s19+$0xFFFFFFF0];
	vm0 =	vle.f32 v25, v16;
	v43 =	vadd.s32 $0x80, v20;
	v25 =	vand.u32 $0xFFFFEF88, v27  }
0x14b: {  	v35 =	vsel vm0, v2, v3;
	v25 =	vor.u32 v4, v25;
	v28 =	vld.idx.msk [tilespmem:v28+s14+$0x0], $0xffff  }
0x14c: {  	v36 =	vadd.s32 $0x1000, v35;
	v24 =	vld.idx.msk [tilespmem:v24+s14+$0x0], $0xffff  }
0x14d: {  	v37 =	vld.idx.msk [tilespmem:v29+s14+$0x0], $0xffff;
	v38 =	vand.u32 $0xFFFFEF88, v36;
	vm0 =	vle.f32 v21, v15  }
0x14e: {  	v38 =	vor.u32 v4, v38;
	v21 =	vld.idx.msk [tilespmem:v42+s14+$0x0], $0xffff;
	v23 =	vsel vm0, v30, v23  }
0x14f: {  	v30 =	vld.idx.msk [tilespmem:v43+s14+$0x0], $0xffff;
	v39 =	vadd.s32 $0x400, v23  }
0x150: {  	vm0 =	vle.f32 v63, v12;
	v25 =	vld.idx.msk [tilespmem:v25+s14+$0x0], $0xffff;
	v17 =	vmul.f32 v28, v17  }
0x151: {  	v28 =	vsel vm0, v7, v8  }
0x152: {  	vm0 =	vle.f32 v37, v19;
	v44 =	vadd.s32 $0x1000, v28;
	v17 =	vadd.f32 v17, v24  }
0x153: {  	s19 =	simm.s32 $0x6960;
	v45 =	vld.idx.msk [tilespmem:v38+s14+$0x0], $0xffff;
	v26 =	vsel vm0, v29, v26;
	v24 =	vand.u32 $0xFFFFEF98, v44  }
0x154: {  	vm1 =	vle.f32 v21, v14;
	vm0 =	vle.f32 v30, v13;
	v30 =	vadd.s32 $0x100, v26;
	v29 =	vld.idx.msk [tilespmem:v39+s14+$0x0], $0xffff;
	[tilespmem:s19+$0x0] =	vst v17  }
0x155: {  	v24 =	vor.u32 v4, v24;
	v17 =	vsel vm0, v43, v20;
	vm0 =	vle.f32 v25, v22;
	v20 =	vld.idx.msk [tilespmem:v7+s14+$0x0], $0xffff  }
0x156: {  	v18 =	vsel vm1, v42, v18;
	vm1 =	vlt.s32 v17, v0;
	v25 =	vsel vm0, v27, v31;
	v21 =	vld [tilespmem:s20+$0x10]  }
0x157: {  	v27 =	vadd.s32 $0x200, v18;
	v17 =	vsel vm1, v5, v17;
	v31 =	vadd.s32 $0x800, v25  }
0x158: {  	v47 =	vand.u32 $0x7, v25;
	vm0 =	vlt.s32 v17, v6;
	v46 =	vand.u32 $0xFFFFF788, v31  }
0x159: {  	v48 =	vadd.s32 $0x20, v17;
	v17 =	vsel vm0, v17, v6;
	v33 =	vor.u32 v47, v46;
	v49 =	vld.idx.msk [tilespmem:v30+s14+$0x0], $0xffff  }
0x15a: {  	vm0 =	vle.f32 v45, v16;
	v17 =	vadd.s32 $0x40, v17;
	vm1 =	vle.f32 v29, v15  }
0x15b: {  	v29 =	vsel vm0, v36, v35;
	v23 =	vsel vm1, v39, v23;
	vm0 =	vle.f32 v20, v21  }
0x15c: {  	v20 =	vld.idx.msk [tilespmem:v27+s14+$0x0], $0xffff;
	v35 =	vadd.s32 $0x800, v29;
	v50 =	vadd.s32 $0x200, v23;
	v51 =	vsel vm0, v7, v8  }
0x15d: {  	v40 =	vand.u32 $0x7, v29;
	v52 =	vand.u32 $0xFFFFF788, v35;
	v41 =	vadd.s32 $0x1000, v51  }
0x15e: {  	v39 =	vor.u32 v40, v52;
	v33 =	vld.idx.msk [tilespmem:v33+s14+$0x0], $0xffff;
	v53 =	vand.u32 $0xFFFFEF98, v41;
	vm0 =	vle.f32 v49, v19  }
0x15f: {  	v24 =	vld.idx.msk [tilespmem:v24+s14+$0x0], $0xffff;
	v54 =	vor.u32 v4, v53;
	v26 =	vsel vm0, v30, v26  }
0x160: {  	v30 =	vld.idx.msk [tilespmem:v48+s14+$0x0], $0xffff;
	v55 =	vadd.s32 $0x80, v26  }
0x161: {  	vm0 =	vle.f32 v20, v14;
	v20 =	vld.idx.msk [tilespmem:v50+s14+$0x0], $0xffff  }
0x162: {  	v17 =	vld.idx.msk [tilespmem:v17+s14+$0x0], $0xffff  }
0x163: {  	v18 =	vsel vm0, v27, v18;
	v39 =	vld.idx.msk [tilespmem:v39+s14+$0x0], $0xffff;
	vm0 =	vle.f32 v33, v22  }
0x164: {  	v27 =	vadd.s32 $0x100, v18;
	v56 =	vld.idx.msk [tilespmem:v54+s14+$0x0], $0xffff;
	v25 =	vsel vm0, v31, v25  }
0x165: {  	vm0 =	vle.f32 v24, v12;
	v24 =	vadd.s32 $0x400, v25;
	v31 =	vld.idx.msk [tilespmem:v55+s14+$0x0], $0xffff  }
0x166: {  	v28 =	vsel vm0, v44, v28;
	vm0 =	vle.f32 v20, v15  }
0x167: {  	v13 =	vmul.f32 v17, v13;
	v23 =	vsel vm0, v50, v23  }
0x168: {  	v20 =	vadd.s32 $0x800, v28;
	v32 =	vand.u32 $0x7, v28;
	v36 =	vadd.s32 $0x100, v23  }
0x169: {  	v13 =	vadd.f32 v13, v30;
	v17 =	vand.u32 $0xFFFFF798, v20;
	v57 =	vld.idx.msk [tilespmem:v27+s14+$0x0], $0xffff;
	vm0 =	vle.f32 v56, v21  }
0x16a: {  	s24 =	simm.s32 $0x5A20;
	vm1 =	vle.f32 v39, v16;
	v30 =	vld.idx.msk [tilespmem:v24+s14+$0x0], $0xffff;
	v33 =	vsel vm0, v41, v51;
	vm0 =	vle.f32 v31, v19  }
0x16b: {  	v32 =	vor.u32 v32, v17;
	v17 =	vld [tilespmem:s24+$0x0];
	v58 =	vadd.s32 $0x800, v33;
	v26 =	vsel vm0, v55, v26  }
0x16c: {  	[tilespmem:s19+$0xFFFFFFE0] =	vst v13;
	v31 =	vld.idx.msk [tilespmem:v2+s14+$0x0], $0xffff;
	v37 =	vand.u32 $0x7, v33;
	v13 =	vand.u32 $0xFFFFF798, v58;
	vm0 =	vlt.s32 v26, v0  }
0x16d: {  	v29 =	vsel vm1, v35, v29;
	v59 =	vor.u32 v37, v13;
	v60 =	vld.idx.msk [tilespmem:v36+s14+$0x0], $0xffff;
	v26 =	vsel vm0, v5, v26  }
0x16e: {  	v61 =	vld.idx.msk [tilespmem:v7+s14+$0x0], $0xffff;
	v62 =	vadd.s32 $0x400, v29;
	vm1 =	vle.f32 v57, v14;
	vm0 =	vlt.s32 v26, v6  }
0x16f: {  	v27 =	vsel vm1, v27, v18;
	v18 =	vld [tilespmem:s24+$0xFFFFFFE0];
	vm1 =	vle.f32 v30, v22;
	v30 =	vsel vm0, v26, v6  }
0x170: {  	v13 =	vld [tilespmem:s20+$0xFFFFFFF0];
	v24 =	vsel vm1, v24, v25;
	v25 =	vadd.s32 $0x40, v30  }
0x171: {  	v63 =	vadd.s32 $0x80, v27;
	vm0 =	vle.f32 v31, v17;
	v30 =	vld.idx.msk [tilespmem:v32+s14+$0x0], $0xffff  }
0x172: {  	v26 =	vadd.s32 $0x20, v26;
	v49 =	vsel vm0, v2, v3;
	v34 =	vld.idx.msk [tilespmem:v59+s14+$0x0], $0xffff;
	vm0 =	vle.f32 v60, v15  }
0x173: {  	v48 =	vadd.s32 $0x200, v24;
	v42 =	vadd.s32 $0x1000, v49;
	v23 =	vsel vm0, v36, v23  }
0x174: {  	v50 =	vld.idx.msk [tilespmem:v62+s14+$0x0], $0xffff;
	vm0 =	vle.f32 v31, v18;
	v31 =	vand.u32 $0xFFFFEF88, v42;
	v43 =	vadd.s32 $0x80, v23  }
0x175: {  	v44 =	vsel vm0, v2, v3;
	v31 =	vor.u32 v4, v31;
	v25 =	vld.idx.msk [tilespmem:v25+s14+$0x0], $0xffff  }
0x176: {  	v51 =	vld.idx.msk [tilespmem:v63+s14+$0x0], $0xffff;
	vm0 =	vle.f32 v61, v13;
	vm1 =	vle.f32 v30, v12;
	v30 =	vadd.s32 $0x1000, v44  }
0x177: {  	v26 =	vld.idx.msk [tilespmem:v26+s14+$0x0], $0xffff;
	v45 =	vsel vm0, v7, v8;
	v46 =	vand.u32 $0xFFFFEF88, v30;
	vm0 =	vle.f32 v34, v21  }
0x178: {  	v52 =	vld.idx.msk [tilespmem:v48+s14+$0x0], $0xffff;
	v46 =	vor.u32 v4, v46;
	v33 =	vsel vm0, v58, v33  }
0x179: {  	v35 =	vadd.s32 $0x400, v33;
	v47 =	vld.idx.msk [tilespmem:v43+s14+$0x0], $0xffff  }
0x17a: {  	v20 =	vsel vm1, v20, v28;
	v34 =	vadd.s32 $0x1000, v45;
	v31 =	vld.idx.msk [tilespmem:v31+s14+$0x0], $0xffff;
	v19 =	vmul.f32 v25, v19  }
0x17b: {  	v28 =	vand.u32 $0xFFFFEF98, v34;
	vm0 =	vle.f32 v50, v16;
	vm1 =	vle.f32 v51, v14  }
0x17c: {  	v27 =	vsel vm1, v63, v27;
	v25 =	vor.u32 v4, v28;
	v19 =	vadd.f32 v19, v26  }
0x17d: {  	s20 =	simm.s32 $0x69A0;
	v28 =	vsel vm0, v62, v29;
	vm0 =	vlt.s32 v27, v0;
	vm1 =	vle.f32 v52, v22;
	v29 =	vld.idx.msk [tilespmem:v46+s14+$0x0], $0xffff  }
0x17e: {  	v27 =	vsel vm0, v5, v27;
	v32 =	vadd.s32 $0x200, v28;
	v24 =	vsel vm1, v48, v24;
	v53 =	vld.idx.msk [tilespmem:v35+s14+$0x0], $0xffff;
	[tilespmem:s20+$0x0] =	vst v19  }
0x17f: {  	v54 =	vadd.s32 $0x100, v24;
	vm1 =	vle.f32 v47, v15;
	vm2 =	vle.f32 v31, v17;
	v31 =	vld.idx.msk [tilespmem:v7+s14+$0x0], $0xffff  }
0x180: {  	v26 =	vadd.s32 $0x400, v20;
	vm0 =	vlt.s32 v27, v6;
	v55 =	vsel vm1, v43, v23;
	v23 =	vld [tilespmem:s21+$0x10]  }
0x181: {  	v19 =	vadd.s32 $0x20, v27;
	v27 =	vsel vm0, v27, v6;
	v39 =	vsel vm2, v42, v49  }
0x182: {  	v27 =	vadd.s32 $0x40, v27;
	vm0 =	vlt.s32 v55, v9;
	v56 =	vadd.s32 $0x800, v39  }
0x183: {  	v42 =	vand.u32 $0x7, v39;
	v38 =	vsel vm0, v10, v55;
	v57 =	vand.u32 $0xFFFFF788, v56  }
0x184: {  	vm0 =	vle.f32 v29, v18;
	vm1 =	vlt.s32 v38, v11;
	v29 =	vor.u32 v42, v57;
	v58 =	vld.idx.msk [tilespmem:v54+s14+$0x0], $0xffff  }
0x185: {  	v59 =	vld.idx.msk [tilespmem:v32+s14+$0x0], $0xffff;
	v30 =	vsel vm0, v30, v44;
	vm2 =	vle.f32 v53, v21;
	vm0 =	vle.f32 v31, v23  }
0x186: {  	v25 =	vld.idx.msk [tilespmem:v25+s14+$0x0], $0xffff;
	v60 =	vsel vm1, v38, v11;
	v33 =	vsel vm2, v35, v33;
	v63 =	vsel vm0, v7, v8  }
0x187: {  	v49 =	vand.u32 $0x7, v30;
	v27 =	vld.idx.msk [tilespmem:v27+s14+$0x0], $0xffff;
	v62 =	vadd.s32 $0x200, v33;
	v50 =	vadd.s32 $0x1000, v63  }
0x188: {  	v61 =	vadd.s32 $0x40, v60;
	v31 =	vadd.s32 $0x800, v30;
	v51 =	vand.u32 $0xFFFFEF98, v50  }
0x189: {  	v19 =	vld.idx.msk [tilespmem:v19+s14+$0x0], $0xffff;
	v48 =	vand.u32 $0xFFFFF788, v31;
	vm0 =	vle.f32 v58, v22;
	v52 =	vor.u32 v4, v51  }
0x18a: {  	vm1 =	vle.f32 v59, v16;
	v44 =	vor.u32 v49, v48;
	v29 =	vld.idx.msk [tilespmem:v29+s14+$0x0], $0xffff;
	v24 =	vsel vm0, v54, v24  }
0x18b: {  	v53 =	vld.idx.msk [tilespmem:v26+s14+$0x0], $0xffff;
	vm0 =	vle.f32 v25, v13;
	v25 =	vsel vm1, v32, v28;
	v28 =	vadd.s32 $0x80, v24  }
0x18c: {  	v54 =	vsel vm0, v34, v45;
	v14 =	vmul.f32 v27, v14;
	v57 =	vld.idx.msk [tilespmem:v62+s14+$0x0], $0xffff  }
0x18d: {  	v55 =	vadd.s32 $0x100, v25;
	v35 =	vld.idx.msk [tilespmem:v61+s14+$0x0], $0xffff;
	v45 =	vadd.s32 $0x800, v54  }
0x18e: {  	v58 =	vand.u32 $0x7, v54;
	v27 =	vand.u32 $0xFFFFF798, v45;
	v14 =	vadd.f32 v14, v19;
	v19 =	vld.idx.msk [tilespmem:v52+s14+$0x0], $0xffff  }
0x18f: {  	v44 =	vld.idx.msk [tilespmem:v44+s14+$0x0], $0xffff;
	vm0 =	vle.f32 v29, v17;
	v27 =	vor.u32 v58, v27  }
0x190: {  	s23 =	simm.s32 $0x5A60;
	vm1 =	vle.f32 v53, v12;
	v29 =	vsel vm0, v56, v39;
	v59 =	vld.idx.msk [tilespmem:v28+s14+$0x0], $0xffff  }
0x191: {  	v26 =	vsel vm1, v26, v20;
	v20 =	vld [tilespmem:s23+$0x0];
	v39 =	vadd.s32 $0x400, v29;
	vm0 =	vle.f32 v57, v21  }
0x192: {  	[tilespmem:s20+$0xFFFFFFE0] =	vst v14;
	v60 =	vld.idx.msk [tilespmem:v55+s14+$0x0], $0xffff;
	v33 =	vsel vm0, v62, v33  }
0x193: {  	v42 =	vadd.s32 $0x200, v26;
	v61 =	vld.idx.msk [tilespmem:v7+s14+$0x0], $0xffff;
	v36 =	vadd.s32 $0x100, v33;
	vm0 =	vle.f32 v19, v23  }
0x194: {  	v34 =	vmul.f32 v35, v15;
	vm1 =	vle.f32 v44, v18;
	v27 =	vld.idx.msk [tilespmem:v27+s14+$0x0], $0xffff;
	v43 =	vsel vm0, v50, v63  }
0x195: {  	v14 =	vld [tilespmem:s21+$0xFFFFFFF0];
	v30 =	vsel vm1, v31, v30;
	vm0 =	vle.f32 v59, v22;
	v63 =	vadd.s32 $0x800, v43  }
0x196: {  	v62 =	vld.idx.msk [tilespmem:v39+s14+$0x0], $0xffff;
	v19 =	vsel vm0, v28, v24;
	v28 =	vand.u32 $0x7, v43;
	v24 =	vand.u32 $0xFFFFF798, v63  }
0x197: {  	v31 =	vld.idx.msk [tilespmem:v2+s14+$0x0], $0xffff;
	vm1 =	vle.f32 v60, v16;
	vm0 =	vlt.s32 v19, v0;
	v24 =	vor.u32 v28, v24  }
0x198: {  	v57 =	vadd.s32 $0x400, v30;
	v25 =	vsel vm1, v55, v25;
	v28 =	vld.idx.msk [tilespmem:v36+s14+$0x0], $0xffff;
	v56 =	vsel vm0, v5, v19  }
0x199: {  	v15 =	vadd.s32 $0x80, v25;
	v19 =	vld [tilespmem:s23+$0xFFFFFFE0];
	vm2 =	vle.f32 v27, v13;
	vm0 =	vlt.s32 v56, v6  }
0x19a: {  	v59 =	vadd.s32 $0x20, v56;
	v32 =	vsel vm2, v45, v54;
	v58 =	vsel vm0, v56, v6  }
0x19b: {  	vm0 =	vle.f32 v61, v14;
	vm1 =	vle.f32 v62, v17;
	v35 =	vadd.s32 $0x40, v58  }
0x19c: {  	v27 =	vsel vm1, v39, v29;
	vm1 =	vle.f32 v31, v20;
	v47 =	vsel vm0, v7, v8;
	v24 =	vld.idx.msk [tilespmem:v24+s14+$0x0], $0xffff  }
0x19d: {  	v29 =	vsel vm1, v2, v3;
	v39 =	vadd.s32 $0x200, v27;
	vm1 =	vle.f32 v28, v21;
	v28 =	vld.idx.msk [tilespmem:v57+s14+$0x0], $0xffff  }
0x19e: {  	v49 =	vld.idx.msk [tilespmem:v42+s14+$0x0], $0xffff;
	v60 =	vadd.s32 $0x1000, v29;
	v33 =	vsel vm1, v36, v33;
	vm1 =	vle.f32 v31, v19  }
0x19f: {  	v61 =	vld.idx.msk [tilespmem:v15+s14+$0x0], $0xffff;
	v31 =	vand.u32 $0xFFFFEF88, v60;
	v62 =	vadd.s32 $0x80, v33;
	v48 =	vsel vm1, v2, v3  }
0x1a0: {  	v45 =	vadd.s32 $0x1000, v47;
	v31 =	vor.u32 v4, v31;
	v35 =	vld.idx.msk [tilespmem:v35+s14+$0x0], $0xffff;
	v50 =	vadd.s32 $0x1000, v48  }
0x1a1: {  	v38 =	vadd.s32 $0x20, v38;
	v51 =	vand.u32 $0xFFFFEF98, v45;
	v37 =	vld.idx.msk [tilespmem:v59+s14+$0x0], $0xffff;
	v52 =	vand.u32 $0xFFFFEF88, v50  }
0x1a2: {  	vm0 =	vle.f32 v24, v23;
	vm1 =	vle.f32 v28, v18;
	v24 =	vld.idx.msk [tilespmem:v39+s14+$0x0], $0xffff;
	v28 =	vor.u32 v4, v52  }
0x1a3: {  	v52 =	vadd.s32 $0x400, v32;
	v40 =	vsel vm0, v63, v43;
	v43 =	vor.u32 v4, v51  }
0x1a4: {  	v30 =	vsel vm1, v57, v30;
	vm0 =	vle.f32 v61, v16;
	v46 =	vadd.s32 $0x400, v40;
	v63 =	vld.idx.msk [tilespmem:v62+s14+$0x0], $0xffff  }
0x1a5: {  	vm1 =	vle.f32 v49, v12;
	v31 =	vld.idx.msk [tilespmem:v31+s14+$0x0], $0xffff;
	v15 =	vsel vm0, v15, v25;
	v22 =	vmul.f32 v35, v22  }
0x1a6: {  	v25 =	vsel vm1, v42, v26;
	v35 =	vadd.s32 $0x200, v30;
	vm0 =	vlt.s32 v15, v0  }
0x1a7: {  	v15 =	vsel vm0, v5, v15;
	v22 =	vadd.f32 v22, v37;
	v28 =	vld.idx.msk [tilespmem:v28+s14+$0x0], $0xffff;
	vm0 =	vle.f32 v24, v17  }
0x1a8: {  	s21 =	simm.s32 $0x69E0;
	v26 =	vadd.s32 $0x100, v25;
	vm1 =	vlt.s32 v15, v6;
	v27 =	vsel vm0, v39, v27;
	v43 =	vld.idx.msk [tilespmem:v43+s14+$0x0], $0xffff  }
0x1a9: {  	v24 =	vadd.s32 $0x20, v15;
	v57 =	vsel vm1, v15, v6;
	v56 =	vld.idx.msk [tilespmem:v46+s14+$0x0], $0xffff;
	[tilespmem:s21+$0x0] =	vst v22;
	vm0 =	vle.f32 v63, v21  }
0x1aa: {  	v22 =	vadd.s32 $0x100, v27;
	vm2 =	vle.f32 v31, v20;
	v31 =	vld.idx.msk [tilespmem:v7+s14+$0x0], $0xffff;
	v33 =	vsel vm0, v62, v33  }
0x1ab: {  	v37 =	vadd.s32 $0x40, v57;
	v29 =	vsel vm2, v60, v29;
	v15 =	vld [tilespmem:s22+$0x10];
	vm0 =	vlt.s32 v33, v9  }
0x1ac: {  	v39 =	vadd.s32 $0x800, v29;
	v59 =	vand.u32 $0x7, v29;
	v33 =	vsel vm0, v10, v33  }
0x1ad: {  	v38 =	vld.idx.msk [tilespmem:v38+s14+$0x0], $0xffff;
	v58 =	vand.u32 $0xFFFFF788, v39;
	vm0 =	vle.f32 v28, v19;
	vm1 =	vlt.s32 v33, v11  }
0x1ae: {  	v60 =	vld.idx.msk [tilespmem:v35+s14+$0x0], $0xffff;
	v28 =	vor.u32 v59, v58;
	v42 =	vsel vm0, v50, v48;
	vm2 =	vle.f32 v56, v23  }
0x1af: {  	v61 =	vld.idx.msk [tilespmem:v22+s14+$0x0], $0xffff;
	v62 =	vsel vm1, v33, v11;
	v53 =	vand.u32 $0x7, v42;
	vm1 =	vle.f32 v43, v14  }
0x1b0: {  	v24 =	vld.idx.msk [tilespmem:v24+s14+$0x0], $0xffff;
	v33 =	vadd.s32 $0x20, v33;
	v40 =	vsel vm2, v46, v40;
	vm0 =	vle.f32 v31, v15  }
0x1b1: {  	v50 =	vld.idx.msk [tilespmem:v26+s14+$0x0], $0xffff;
	v36 =	vadd.s32 $0x40, v62;
	v46 =	vadd.s32 $0x800, v42;
	v49 =	vsel vm0, v7, v8  }
0x1b2: {  	v37 =	vld.idx.msk [tilespmem:v37+s14+$0x0], $0xffff;
	v48 =	vadd.s32 $0x200, v40;
	v63 =	vand.u32 $0xFFFFF788, v46;
	v54 =	vadd.s32 $0x1000, v49  }
0x1b3: {  	v31 =	vld.idx.msk [tilespmem:v52+s14+$0x0], $0xffff;
	vm0 =	vle.f32 v60, v18;
	v57 =	vor.u32 v53, v63;
	v58 =	vand.u32 $0xFFFFEF98, v54  }
0x1b4: {  	v30 =	vsel vm0, v35, v30;
	v28 =	vld.idx.msk [tilespmem:v28+s14+$0x0], $0xffff;
	vm0 =	vle.f32 v61, v17;
	v59 =	vor.u32 v4, v58  }
0x1b5: {  	v43 =	vsel vm1, v45, v47;
	v60 =	vadd.s32 $0x100, v30;
	v33 =	vld.idx.msk [tilespmem:v33+s14+$0x0], $0xffff;
	v22 =	vsel vm0, v22, v27  }
0x1b6: {  	v36 =	vld.idx.msk [tilespmem:v36+s14+$0x0], $0xffff;
	v27 =	vadd.f32 v34, v38;
	v34 =	vadd.s32 $0x800, v43;
	v61 =	vadd.s32 $0x80, v22  }
0x1b7: {  	v51 =	vand.u32 $0x7, v43;
	v62 =	vld.idx.msk [tilespmem:v48+s14+$0x0], $0xffff;
	v63 =	vand.u32 $0xFFFFF798, v34  }
0x1b8: {  	v16 =	vmul.f32 v37, v16;
	v44 =	vld.idx.msk [tilespmem:v57+s14+$0x0], $0xffff;
	v37 =	vor.u32 v51, v63  }
0x1b9: {  	vm1 =	vle.f32 v31, v13;
	vm0 =	vle.f32 v28, v20;
	v35 =	vld.idx.msk [tilespmem:v59+s14+$0x0], $0xffff  }
0x1ba: {  	v16 =	vadd.f32 v16, v24;
	v32 =	vsel vm1, v52, v32;
	v31 =	vld.idx.msk [tilespmem:v60+s14+$0x0], $0xffff;
	v24 =	vsel vm0, v39, v29  }
0x1bb: {  	vm0 =	vle.f32 v50, v12;
	v50 =	vadd.s32 $0x200, v32;
	v39 =	vadd.s32 $0x400, v24;
	v52 =	vld.idx.msk [tilespmem:v61+s14+$0x0], $0xffff  }
0x1bc: {  	v26 =	vsel vm0, v26, v25;
	v29 =	vmul.f32 v36, v21;
	vm0 =	vle.f32 v62, v23  }
0x1bd: {  	[tilespmem:s21+$0xFFFFFFE0] =	vst v16;
	v28 =	vadd.s32 $0x80, v26;
	v38 =	vsel vm0, v48, v40;
	vm0 =	vle.f32 v44, v19;
	v53 =	vld.idx.msk [tilespmem:v37+s14+$0x0], $0xffff  }
0x1be: {  	v16 =	vld [tilespmem:s22+$0xFFFFFFF0];
	v40 =	vadd.s32 $0x100, v38;
	v42 =	vsel vm0, v46, v42;
	vm0 =	vle.f32 v35, v15  }
0x1bf: {  	v25 =	vld.idx.msk [tilespmem:v7+s14+$0x0], $0xffff;
	v33 =	vadd.f32 v29, v33;
	v36 =	vadd.s32 $0x400, v42;
	v37 =	vsel vm0, v54, v49  }
0x1c0: {  	v55 =	vld.idx.msk [tilespmem:v39+s14+$0x0], $0xffff;
	vm0 =	vle.f32 v31, v18;
	vm1 =	vle.f32 v52, v17;
	v31 =	vadd.s32 $0x800, v37  }
0x1c1: {  	s25 =	simm.s32 $0x5AA0;
	v46 =	vld.idx.msk [tilespmem:v2+s14+$0x0], $0xffff;
	v30 =	vsel vm0, v60, v30;
	v57 =	vand.u32 $0x7, v37;
	v21 =	vsel vm1, v61, v22  }
0x1c2: {  	v56 =	vand.u32 $0xFFFFF798, v31;
	v22 =	vld [tilespmem:s25+$0x0];
	v47 =	vadd.s32 $0x80, v30;
	vm1 =	vle.f32 v53, v14  }
0x1c3: {  	vm0 =	vlt.s32 v21, v0;
	v41 =	vor.u32 v57, v56;
	v58 =	vld.idx.msk [tilespmem:v40+s14+$0x0], $0xffff;
	v34 =	vsel vm1, v34, v43  }
0x1c4: {  	v61 =	vsel vm0, v5, v21;
	vm0 =	vle.f32 v25, v16;
	v21 =	vld [tilespmem:s25+$0xFFFFFFE0];
	v49 =	vadd.s32 $0x400, v34  }
0x1c5: {  	vm2 =	vlt.s32 v61, v6;
	v25 =	vsel vm0, v7, v8;
	vm0 =	vle.f32 v55, v20  }
0x1c6: {  	v48 =	vadd.s32 $0x20, v61;
	v62 =	vsel vm2, v61, v6;
	v44 =	vadd.s32 $0x1000, v25  }
0x1c7: {  	v63 =	vld.idx.msk [tilespmem:v36+s14+$0x0], $0xffff;
	v24 =	vsel vm0, v39, v24;
	v35 =	vadd.s32 $0x40, v62;
	v59 =	vand.u32 $0xFFFFEF98, v44  }
0x1c8: {  	vm0 =	vle.f32 v46, v22;
	v52 =	vadd.s32 $0x200, v24;
	v61 =	vld.idx.msk [tilespmem:v47+s14+$0x0], $0xffff;
	v39 =	vor.u32 v4, v59  }
0x1c9: {  	v41 =	vld.idx.msk [tilespmem:v41+s14+$0x0], $0xffff;
	v53 =	vsel vm0, v2, v3;
	vm0 =	vle.f32 v58, v23;
	vm2 =	vle.f32 v46, v21  }
0x1ca: {  	v60 =	vld.idx.msk [tilespmem:v50+s14+$0x0], $0xffff;
	v46 =	vadd.s32 $0x1000, v53;
	v38 =	vsel vm0, v40, v38;
	v54 =	vsel vm2, v2, v3  }
0x1cb: {  	v62 =	vld.idx.msk [tilespmem:v28+s14+$0x0], $0xffff;
	v55 =	vand.u32 $0xFFFFEF88, v46;
	v56 =	vadd.s32 $0x80, v38;
	v57 =	vadd.s32 $0x1000, v54  }
0x1cc: {  	vm0 =	vle.f32 v63, v19;
	v55 =	vor.u32 v4, v55;
	v35 =	vld.idx.msk [tilespmem:v35+s14+$0x0], $0xffff;
	v63 =	vand.u32 $0xFFFFEF88, v57  }
0x1cd: {  	v36 =	vsel vm0, v36, v42;
	v48 =	vld.idx.msk [tilespmem:v48+s14+$0x0], $0xffff;
	vm1 =	vle.f32 v61, v18;
	v43 =	vor.u32 v4, v63  }
0x1ce: {  	v58 =	vld.idx.msk [tilespmem:v52+s14+$0x0], $0xffff;
	vm0 =	vle.f32 v41, v15;
	v41 =	vadd.s32 $0x200, v36;
	v30 =	vsel vm1, v47, v30  }
0x1cf: {  	v39 =	vld.idx.msk [tilespmem:v39+s14+$0x0], $0xffff;
	v31 =	vsel vm0, v31, v37;
	vm0 =	vle.f32 v60, v13;
	vm1 =	vlt.s32 v30, v0  }
0x1d0: {  	v37 =	vadd.s32 $0x400, v31;
	v59 =	vld.idx.msk [tilespmem:v56+s14+$0x0], $0xffff;
	v32 =	vsel vm0, v50, v32;
	v30 =	vsel vm1, v5, v30  }
0x1d1: {  	vm0 =	vle.f32 v62, v12;
	v60 =	vld.idx.msk [tilespmem:v55+s14+$0x0], $0xffff;
	vm1 =	vlt.s32 v30, v6;
	v17 =	vmul.f32 v35, v17  }
0x1d2: {  	v42 =	vadd.s32 $0x20, v30;
	v26 =	vsel vm0, v28, v26;
	v35 =	vadd.s32 $0x100, v32;
	v61 =	vld.idx.msk [tilespmem:v43+s14+$0x0], $0xffff  }
0x1d3: {  	vm2 =	vle.f32 v58, v20;
	v30 =	vsel vm1, v30, v6;
	v17 =	vadd.f32 v17, v48  }
0x1d4: {  	s22 =	simm.s32 $0x6A20;
	vm0 =	vlt.s32 v26, v9;
	v43 =	vsel vm2, v52, v24;
	vm1 =	vle.f32 v39, v16  }
0x1d5: {  	v30 =	vadd.s32 $0x40, v30;
	v24 =	vsel vm1, v44, v25;
	v62 =	vld.idx.msk [tilespmem:v37+s14+$0x0], $0xffff;
	vm1 =	vle.f32 v59, v23;
	[tilespmem:s22+$0x0] =	vst v17  }
0x1d6: {  	v48 =	vadd.s32 $0x100, v43;
	vm2 =	vle.f32 v60, v22;
	v38 =	vsel vm1, v56, v38;
	v63 =	vld.idx.msk [tilespmem:v7+s14+$0x0], $0xffff  }
0x1d7: {  	v45 =	vsel vm2, v46, v53;
	v17 =	vld [tilespmem:s24+$0x10];
	vm1 =	vlt.s32 v38, v9;
	vm2 =	vle.f32 v61, v21  }
0x1d8: {  	v46 =	vadd.s32 $0x800, v45;
	v38 =	vsel vm1, v10, v38;
	v59 =	vand.u32 $0x7, v45  }
0x1d9: {  	v60 =	vld.idx.msk [tilespmem:v41+s14+$0x0], $0xffff;
	v58 =	vand.u32 $0xFFFFF788, v46;
	vm1 =	vlt.s32 v38, v11;
	v51 =	vsel vm2, v57, v54  }
0x1da: {  	v30 =	vld.idx.msk [tilespmem:v30+s14+$0x0], $0xffff;
	v56 =	vadd.s32 $0x20, v38;
	v40 =	vor.u32 v59, v58;
	vm3 =	vle.f32 v62, v15  }
0x1db: {  	v39 =	vld.idx.msk [tilespmem:v48+s14+$0x0], $0xffff;
	v61 =	vsel vm1, v38, v11;
	v52 =	vadd.s32 $0x800, v51;
	v31 =	vsel vm3, v37, v31  }
0x1dc: {  	v58 =	vld.idx.msk [tilespmem:v42+s14+$0x0], $0xffff;
	v47 =	vadd.s32 $0x40, v61;
	v62 =	vand.u32 $0xFFFFF788, v52;
	vm1 =	vle.f32 v63, v17  }
0x1dd: {  	v55 =	vld.idx.msk [tilespmem:v35+s14+$0x0], $0xffff;
	v53 =	vadd.s32 $0x200, v31;
	v63 =	vand.u32 $0x7, v51;
	v54 =	vsel vm1, v7, v8  }
0x1de: {  	v25 =	vadd.s32 $0x800, v24;
	v37 =	vld.idx.msk [tilespmem:v49+s14+$0x0], $0xffff;
	v44 =	vor.u32 v63, v62;
	v57 =	vadd.s32 $0x1000, v54  }
0x1df: {  	vm1 =	vle.f32 v60, v19;
	v18 =	vmul.f32 v30, v18;
	v59 =	vand.u32 $0xFFFFEF98, v57;
	v60 =	vld.idx.msk [tilespmem:v40+s14+$0x0], $0xffff  }
0x1e0: {  	v38 =	vsel vm1, v41, v36;
	vm1 =	vle.f32 v39, v20;
	v56 =	vld.idx.msk [tilespmem:v56+s14+$0x0], $0xffff;
	v61 =	vor.u32 v4, v59  }
0x1e1: {  	v40 =	vadd.s32 $0x100, v38;
	v41 =	vsel vm1, v48, v43;
	v18 =	vadd.f32 v18, v58;
	v47 =	vld.idx.msk [tilespmem:v47+s14+$0x0], $0xffff  }
0x1e2: {  	v62 =	vand.u32 $0xFFFFF798, v25;
	v30 =	vand.u32 $0x7, v24;
	v42 =	vadd.s32 $0x80, v41;
	v63 =	vld.idx.msk [tilespmem:v53+s14+$0x0], $0xffff  }
0x1e3: {  	v59 =	vor.u32 v30, v62;
	vm1 =	vle.f32 v37, v14;
	[tilespmem:s22+$0xFFFFFFE0] =	vst v18;
	v37 =	vld.idx.msk [tilespmem:v44+s14+$0x0], $0xffff  }
0x1e4: {  	v29 =	vsel vm1, v49, v34;
	vm1 =	vle.f32 v55, v13;
	v36 =	vld.idx.msk [tilespmem:v7+s14+$0x0], $0xffff;
	vm2 =	vle.f32 v60, v22  }
0x1e5: {  	v30 =	vadd.s32 $0x200, v29;
	v60 =	vsel vm0, v10, v26;
	v58 =	vld.idx.msk [tilespmem:v61+s14+$0x0], $0xffff;
	v43 =	vsel vm2, v46, v45  }
0x1e6: {  	v26 =	vsel vm1, v35, v32;
	v61 =	vld.idx.msk [tilespmem:v40+s14+$0x0], $0xffff;
	vm0 =	vlt.s32 v60, v11;
	v44 =	vadd.s32 $0x400, v43  }
0x1e7: {  	v39 =	vld.idx.msk [tilespmem:v42+s14+$0x0], $0xffff;
	v62 =	vmul.f32 v47, v23;
	v18 =	vsel vm0, v60, v11;
	vm0 =	vle.f32 v63, v15  }
0x1e8: {  	[tilespmem:s18+$0x10] =	vst v27;
	v28 =	vadd.s32 $0x80, v26;
	v34 =	vld.idx.msk [tilespmem:v59+s14+$0x0], $0xffff;
	v27 =	vadd.s32 $0x40, v18;
	v32 =	vsel vm0, v53, v31  }
0x1e9: {  	[tilespmem:s19+$0x10] =	vst v33;
	v18 =	vld [tilespmem:s24+$0xFFFFFFF0];
	v63 =	vadd.f32 v62, v56;
	vm0 =	vle.f32 v37, v21;
	v33 =	vadd.s32 $0x100, v32  }
0x1ea: {  	v23 =	vadd.s32 $0x20, v60;
	v31 =	vld.idx.msk [tilespmem:v30+s14+$0x0], $0xffff;
	v45 =	vsel vm0, v52, v51;
	vm1 =	vle.f32 v58, v17  }
0x1eb: {  	s26 =	simm.s32 $0x5AA0;
	s24 =	simm.s32 $0xC;
	[tilespmem:s20+$0x10] =	vst v63;
	v46 =	vadd.s32 $0x400, v45;
	vm0 =	vle.f32 v61, v19;
	v37 =	vld.idx.msk [tilespmem:v44+s14+$0x0], $0xffff;
	v35 =	vsel vm1, v57, v54  }
.LBB2_6:
0x1ec: {  	v47 =	vld.idx.msk [tilespmem:v2+s14+$0x0], $0xffff;
	s25 =	sadd.s32 $0x40, s25;
	v38 =	vsel vm0, v40, v38;
	vm0 =	vle.f32 v39, v20;
	v40 =	vadd.s32 $0x800, v35;
	s28 =	smov.u32 s21;
	s21 =	smov.u32 s22  }
0x1ed: {  	v48 =	vld [tilespmem:s25+$0x0];
	v41 =	vsel vm0, v42, v41;
	v39 =	vand.u32 $0xFFFFF798, v40;
	v42 =	vand.u32 $0x7, v35  }
0x1ee: {  	v49 =	vadd.s32 $0x80, v38;
	vm0 =	vlt.s32 v41, v0;
	v42 =	vor.u32 v42, v39;
	v50 =	vld.idx.msk [tilespmem:v33+s14+$0x0], $0xffff  }
0x1ef: {  	s24 =	sadd.s32 $0x2, s24;
	vm1 =	vle.f32 v34, v16;
	v39 =	vld [tilespmem:s25+$0xFFFFFFE0];
	v41 =	vsel vm0, v5, v41;
	vm0 =	vle.f32 v36, v18  }
0x1f0: {  	p0 =	slt.u32 s24, $0x7E;
	v36 =	vsel vm1, v25, v24;
	v51 =	vld.idx.msk [tilespmem:v46+s14+$0x0], $0xffff;
	vm2 =	vlt.s32 v41, v6;
	v52 =	vsel vm0, v7, v8  }
0x1f1: {  	vm0 =	vle.f32 v37, v22;
	v24 =	vsel vm2, v41, v6;
	v25 =	vadd.s32 $0x1000, v52;
	v53 =	vld.idx.msk [tilespmem:v28+s14+$0x0], $0xffff  }
0x1f2: {  	v43 =	vsel vm0, v44, v43;
	v24 =	vadd.s32 $0x40, v24;
	v37 =	vand.u32 $0xFFFFEF98, v25;
	v34 =	vld.idx.msk [tilespmem:v27+s14+$0x0], $0xffff  }
0x1f3: {  	vm0 =	vle.f32 v47, v48;
	v27 =	vadd.s32 $0x200, v43;
	v44 =	vor.u32 v4, v37;
	v42 =	vld.idx.msk [tilespmem:v42+s14+$0x0], $0xffff  }
0x1f4: {  	v41 =	vadd.s32 $0x20, v41;
	v54 =	vsel vm0, v2, v3;
	vm0 =	vle.f32 v50, v15;
	v55 =	vld.idx.msk [tilespmem:v49+s14+$0x0], $0xffff  }
0x1f5: {  	vm1 =	vle.f32 v47, v39;
	v47 =	vadd.s32 $0x1000, v54;
	v32 =	vsel vm0, v33, v32;
	v37 =	vld.idx.msk [tilespmem:v23+s14+$0x0], $0xffff  }
0x1f6: {  	v23 =	vsel vm1, v2, v3;
	v33 =	vand.u32 $0xFFFFEF88, v47;
	v50 =	vadd.s32 $0x80, v32  }
0x1f7: {  	vm0 =	vle.f32 v51, v21;
	v56 =	vadd.s32 $0x1000, v23;
	v33 =	vor.u32 v4, v33;
	v24 =	vld.idx.msk [tilespmem:v24+s14+$0x0], $0xffff  }
0x1f8: {  	v57 =	vadd.s32 $0x400, v36;
	v45 =	vsel vm0, v46, v45;
	v51 =	vand.u32 $0xFFFFEF88, v56;
	v46 =	vld.idx.msk [tilespmem:v27+s14+$0x0], $0xffff  }
0x1f9: {  	v58 =	vadd.s32 $0x200, v45;
	v51 =	vor.u32 v4, v51;
	vm0 =	vle.f32 v42, v17;
	v41 =	vld.idx.msk [tilespmem:v41+s14+$0x0], $0xffff  }
0x1fa: {  	vm1 =	vle.f32 v55, v19;
	v35 =	vsel vm0, v40, v35;
	vm0 =	vle.f32 v31, v14;
	v42 =	vld.idx.msk [tilespmem:v44+s14+$0x0], $0xffff  }
0x1fb: {  	v31 =	vsel vm1, v49, v38;
	v38 =	vadd.s32 $0x400, v35;
	v44 =	vsel vm0, v30, v29;
	v40 =	vld.idx.msk [tilespmem:v50+s14+$0x0], $0xffff  }
0x1fc: {  	vm1 =	vle.f32 v53, v13;
	vm0 =	vlt.s32 v31, v0;
	v29 =	vld.idx.msk [tilespmem:v33+s14+$0x0], $0xffff;
	v33 =	vadd.s32 $0x100, v44  }
0x1fd: {  	v28 =	vsel vm1, v28, v26;
	v30 =	vsel vm0, v5, v31;
	v24 =	vmul.f32 v24, v20;
	v31 =	vld.idx.msk [tilespmem:v57+s14+$0x0], $0xffff  }
0x1fe: {  	vm0 =	vlt.s32 v28, v9;
	v20 =	vmovc v22;
	vm1 =	vlt.s32 v30, v6;
	v49 =	vadd.s32 $0x20, v30;
	v26 =	vld.idx.msk [tilespmem:v51+s14+$0x0], $0xffff  }
0x1ff: {  	vm2 =	vle.f32 v46, v20;
	v46 =	vsel vm1, v30, v6;
	v24 =	vadd.f32 v24, v41;
	v51 =	vld.idx.msk [tilespmem:v58+s14+$0x0], $0xffff  }
0x200: {  	s22 =	sadd.s32 $0x40, s22;
	v22 =	vmovc v48;
	v27 =	vsel vm2, v27, v43;
	v30 =	vadd.s32 $0x40, v46;
	vm1 =	vle.f32 v42, v18;
	v41 =	vld.idx.msk [tilespmem:v38+s14+$0x0], $0xffff  }
0x201: {  	v42 =	vadd.s32 $0x100, v27;
	[tilespmem:s22+$0x0] =	vst v24;
	v24 =	vsel vm1, v25, v52;
	vm1 =	vle.f32 v40, v15;
	v43 =	vld.idx.msk [tilespmem:v33+s14+$0x0], $0xffff  }
0x202: {  	vm2 =	vle.f32 v29, v22;
	v29 =	vld.idx.msk [tilespmem:v7+s14+$0x0], $0xffff;
	v25 =	vadd.s32 $0x800, v24;
	v32 =	vsel vm1, v50, v32  }
0x203: {  	v46 =	vsel vm2, v47, v54;
	v47 =	vld [tilespmem:s23+$0x10];
	v48 =	vand.u32 $0xFFFFF798, v25;
	vm1 =	vlt.s32 v32, v9  }
0x204: {  	vm2 =	vle.f32 v26, v39;
	v50 =	vadd.s32 $0x800, v46;
	v26 =	vld.idx.msk [tilespmem:v49+s14+$0x0], $0xffff;
	v32 =	vsel vm1, v10, v32  }
0x205: {  	v40 =	vand.u32 $0xFFFFF788, v50;
	v49 =	vand.u32 $0x7, v46;
	v30 =	vld.idx.msk [tilespmem:v30+s14+$0x0], $0xffff;
	vm1 =	vlt.s32 v32, v11  }
0x206: {  	v40 =	vor.u32 v49, v40;
	vm3 =	vle.f32 v41, v17;
	v49 =	vld.idx.msk [tilespmem:v42+s14+$0x0], $0xffff;
	v41 =	vsel vm1, v32, v11  }
0x207: {  	v52 =	vsel vm2, v56, v23;
	v35 =	vsel vm3, v38, v35;
	v23 =	vadd.s32 $0x40, v41  }
0x208: {  	v53 =	vadd.s32 $0x800, v52;
	v54 =	vadd.s32 $0x200, v35;
	vm1 =	vle.f32 v29, v47  }
0x209: {  	v32 =	vadd.s32 $0x20, v32;
	v29 =	vand.u32 $0xFFFFF788, v53;
	v55 =	vsel vm1, v7, v8  }
0x20a: {  	v38 =	vand.u32 $0x7, v52;
	vm1 =	vle.f32 v51, v21;
	v51 =	vadd.s32 $0x1000, v55  }
0x20b: {  	v56 =	vor.u32 v38, v29;
	v38 =	vsel vm1, v58, v45;
	v59 =	vld.idx.msk [tilespmem:v40+s14+$0x0], $0xffff;
	v29 =	vand.u32 $0xFFFFEF98, v51  }
0x20c: {  	v40 =	vadd.s32 $0x100, v38;
	vm1 =	vle.f32 v49, v20;
	v45 =	vor.u32 v4, v29;
	v23 =	vld.idx.msk [tilespmem:v23+s14+$0x0], $0xffff  }
0x20d: {  	v41 =	vsel vm1, v42, v27;
	v27 =	vmul.f32 v30, v19;
	v29 =	vand.u32 $0x7, v24;
	v19 =	vmovc v21;
	v49 =	vld.idx.msk [tilespmem:v54+s14+$0x0], $0xffff  }
0x20e: {  	vm1 =	vle.f32 v31, v16;
	v21 =	vmovc v39;
	v42 =	vadd.s32 $0x80, v41;
	v48 =	vor.u32 v29, v48;
	v31 =	vld.idx.msk [tilespmem:v32+s14+$0x0], $0xffff  }
0x20f: {  	v29 =	vsel vm1, v57, v36;
	vm1 =	vle.f32 v43, v14;
	v27 =	vadd.f32 v27, v26  }
0x210: {  	v30 =	vadd.s32 $0x200, v29;
	v26 =	vsel vm1, v33, v44;
	v32 =	vsel vm0, v10, v28;
	v56 =	vld.idx.msk [tilespmem:v56+s14+$0x0], $0xffff  }
0x211: {  	v28 =	vadd.s32 $0x80, v26;
	vm1 =	vlt.s32 v32, v11;
	vm0 =	vle.f32 v59, v22;
	[tilespmem:s22+$0xFFFFFFE0] =	vst v27;
	v57 =	vld.idx.msk [tilespmem:v45+s14+$0x0], $0xffff  }
0x212: {  	v36 =	vsel vm1, v32, v11;
	v43 =	vsel vm0, v50, v46;
	v33 =	vmul.f32 v23, v15;
	v50 =	vld.idx.msk [tilespmem:v40+s14+$0x0], $0xffff  }
0x213: {  	v23 =	vadd.s32 $0x20, v32;
	v27 =	vadd.s32 $0x40, v36;
	v15 =	vmovc v17;
	v17 =	vmovc v47;
	v44 =	vadd.s32 $0x400, v43;
	v39 =	vld.idx.msk [tilespmem:v42+s14+$0x0], $0xffff  }
.Ltmp2:
0x214: {  	v45 =	vmul.f32 v34, v12;
	vm0 =	vle.f32 v49, v15;
	v31 =	vadd.f32 v33, v31;
	v36 =	vld.idx.msk [tilespmem:v7+s14+$0x0], $0xffff;
	(pc) =	sbr.rel @p0 .LBB2_6-.Ltmp2, $4  }
0x215: {  	v12 =	vmovc v13;
	v13 =	vmovc v14;
	v14 =	vmov v16;
	v16 =	vmov v18;
	v32 =	vsel vm0, v54, v35;
	v18 =	vld [tilespmem:s23+$0xFFFFFFF0];
	s23 =	smov.u32 s26;
	s26 =	smov.u32 s25  }
0x216: {  	v47 =	vadd.f32 v45, v37;
	v33 =	vadd.s32 $0x100, v32;
	vm0 =	vle.f32 v56, v21;
	v34 =	vld.idx.msk [tilespmem:v48+s14+$0x0], $0xffff;
	[tilespmem:s28+$0x10] =	vst v31  }
0x217: {  	v45 =	vsel vm0, v53, v52;
	vm1 =	vle.f32 v57, v17;
	v31 =	vld.idx.msk [tilespmem:v30+s14+$0x0], $0xffff  }
0x218: {  	v46 =	vadd.s32 $0x400, v45;
	vm0 =	vle.f32 v50, v19;
	v35 =	vsel vm1, v51, v55;
	v37 =	vld.idx.msk [tilespmem:v44+s14+$0x0], $0xffff;
	[tilespmem:s18+$0xFFFFFFF0] =	vst v47;
	s18 =	smov.u32 s19;
	s19 =	smov.u32 s20;
	s20 =	smov.u32 s28  }
0x219: {  	_ =	sdelay $0x3  }
0x21a: {  	v54 =	vld.idx.msk [tilespmem:v46+s14+$0x0], $0xffff;
	vm1 =	vle.f32 v37, v22  }
0x21b: {  	v37 =	vsel vm1, v44, v43  }
0x21c: {  	v44 =	vadd.s32 $0x200, v37;
	_ =	sdelay $0x2  }
0x21d: {  	vm14 =	vle.f32 v54, v21  }
0x21e: {  	v45 =	vsel vm14, v46, v45  }
0x21f: {  	v46 =	vadd.s32 $0x200, v45;
	v55 =	vld.idx.msk [tilespmem:v44+s14+$0x0], $0xffff;
	_ =	sdelay $0x4  }
0x220: {  	v56 =	vld.idx.msk [tilespmem:v46+s14+$0x0], $0xffff;
	vm15 =	vle.f32 v55, v22  }
0x221: {  	v37 =	vsel vm15, v44, v37  }
0x222: {  	v44 =	vadd.s32 $0x100, v37;
	_ =	sdelay $0x2  }
0x223: {  	vm4 =	vle.f32 v56, v21  }
0x224: {  	v43 =	vsel vm4, v46, v45  }
0x225: {  	vm2 =	vle.f32 v39, v20;
	v45 =	vadd.s32 $0x100, v43;
	v47 =	vld.idx.msk [tilespmem:v44+s14+$0x0], $0xffff  }
0x226: {  	v39 =	vsel vm2, v42, v41  }
0x227: {  	vm6 =	vlt.s32 v39, v0  }
0x228: {  	v39 =	vsel vm6, v5, v39  }
0x229: {  	vm7 =	vlt.s32 v39, v6  }
0x22a: {  	v59 =	vsel vm7, v39, v6;
	v58 =	vld.idx.msk [tilespmem:v45+s14+$0x0], $0xffff;
	vm5 =	vle.f32 v47, v22  }
0x22b: {  	v37 =	vsel vm5, v44, v37;
	v44 =	vadd.s32 $0x40, v59  }
0x22c: {  	v38 =	vsel vm0, v40, v38;
	v57 =	vadd.s32 $0x80, v37  }
0x22d: {  	v40 =	vadd.s32 $0x80, v38  }
0x22e: {  	v39 =	vadd.s32 $0x20, v39  }
0x22f: {  	vm8 =	vle.f32 v58, v21  }
0x230: {  	v42 =	vsel vm8, v45, v43;
	v44 =	vld.idx.msk [tilespmem:v44+s14+$0x0], $0xffff  }
0x231: {  	v43 =	vadd.s32 $0x80, v42;
	v60 =	vld.idx.msk [tilespmem:v57+s14+$0x0], $0xffff  }
0x232: {  	v61 =	vld.idx.msk [tilespmem:v40+s14+$0x0], $0xffff  }
0x233: {  	v39 =	vld.idx.msk [tilespmem:v39+s14+$0x0], $0xffff;
	_ =	sdelay $0x2  }
0x234: {  	v62 =	vld.idx.msk [tilespmem:v43+s14+$0x0], $0xffff;
	v63 =	vmul.f32 v44, v20;
	vm9 =	vle.f32 v60, v22  }
0x235: {  	v37 =	vsel vm9, v57, v37  }
0x236: {  	vm10 =	vle.f32 v61, v19;
	v20 =	vadd.f32 v63, v39;
	vm0 =	vlt.s32 v37, v0  }
0x237: {  	s24 =	sadd.s32 $0x40, s22;
	v38 =	vsel vm10, v40, v38;
	v37 =	vsel vm0, v5, v37  }
0x238: {  	vm0 =	vlt.s32 v38, v0;
	[tilespmem:s24+$0x0] =	vst v20;
	vm11 =	vlt.s32 v37, v6  }
0x239: {  	vm12 =	vle.f32 v62, v21;
	v38 =	vsel vm0, v5, v38;
	v47 =	vld.idx.msk [tilespmem:v7+s14+$0x0], $0xffff;
	v44 =	vsel vm11, v37, v6  }
0x23a: {  	v45 =	vsel vm12, v43, v42;
	v20 =	vld [tilespmem:s23+$0x10];
	vm13 =	vlt.s32 v38, v6;
	v40 =	vadd.s32 $0x40, v44  }
0x23b: {  	vm0 =	vlt.s32 v45, v0;
	v37 =	vadd.s32 $0x20, v37;
	v46 =	vsel vm13, v38, v6  }
0x23c: {  	v39 =	vsel vm0, v5, v45;
	v41 =	vadd.s32 $0x40, v46  }
0x23d: {  	vm0 =	vlt.s32 v39, v6  }
0x23e: {  	v38 =	vadd.s32 $0x20, v38;
	v48 =	vsel vm0, v39, v6  }
0x23f: {  	v43 =	vadd.s32 $0x40, v48;
	vm14 =	vle.f32 v47, v20;
	v40 =	vld.idx.msk [tilespmem:v40+s14+$0x0], $0xffff  }
0x240: {  	v37 =	vld.idx.msk [tilespmem:v37+s14+$0x0], $0xffff;
	v50 =	vsel vm14, v7, v8  }
0x241: {  	v39 =	vadd.s32 $0x20, v39;
	v52 =	vadd.s32 $0x1000, v50;
	v41 =	vld.idx.msk [tilespmem:v41+s14+$0x0], $0xffff  }
0x242: {  	v53 =	vand.u32 $0xFFFFEF98, v52  }
0x243: {  	v38 =	vld.idx.msk [tilespmem:v38+s14+$0x0], $0xffff;
	v55 =	vor.u32 v4, v53  }
0x244: {  	v51 =	vld.idx.msk [tilespmem:v43+s14+$0x0], $0xffff;
	v49 =	vmul.f32 v40, v22;
	_ =	sdelay $0x1  }
0x245: {  	v39 =	vld.idx.msk [tilespmem:v39+s14+$0x0], $0xffff;
	v54 =	vmul.f32 v41, v19;
	v22 =	vadd.f32 v49, v37  }
0x246: {  	s25 =	sadd.s32 $0x40, s24  }
0x247: {  	v58 =	vld.idx.msk [tilespmem:v55+s14+$0x0], $0xffff;
	v19 =	vadd.f32 v54, v38;
	[tilespmem:s25+$0x0] =	vst v22  }
0x248: {  	v57 =	vmul.f32 v51, v21;
	v56 =	vld.idx.msk [tilespmem:v7+s14+$0x0], $0xffff  }
0x249: {  	v22 =	vld [tilespmem:s26+$0x10];
	[tilespmem:s24+$0xFFFFFFE0] =	vst v19  }
0x24a: {  	vm4 =	vle.f32 v36, v18;
	v21 =	vadd.f32 v57, v39;
	v19 =	vld [tilespmem:s23+$0xFFFFFFF0]  }
0x24b: {  	v45 =	vsel vm4, v7, v8;
	v59 =	vld.idx.msk [tilespmem:v7+s14+$0x0], $0xffff  }
0x24c: {  	v47 =	vadd.s32 $0x1000, v45;
	v38 =	vadd.s32 $0x800, v35;
	[tilespmem:s25+$0xFFFFFFE0] =	vst v21  }
0x24d: {  	v62 =	vand.u32 $0x7, v35;
	v60 =	vand.u32 $0xFFFFF798, v38;
	v57 =	vand.u32 $0xFFFFEF98, v47;
	v61 =	vld.idx.msk [tilespmem:v7+s14+$0x0], $0xffff  }
0x24e: {  	v41 =	vor.u32 v62, v60;
	v21 =	vld [tilespmem:s26+$0xFFFFFFF0];
	vm5 =	vle.f32 v58, v20;
	vm15 =	vle.f32 v56, v22  }
0x24f: {  	v58 =	vor.u32 v4, v57;
	v40 =	vsel vm5, v52, v50;
	v43 =	vsel vm15, v7, v8  }
0x250: {  	v46 =	vadd.s32 $0x800, v40;
	vm6 =	vle.f32 v59, v19;
	v63 =	vadd.s32 $0x1000, v43  }
0x251: {  	v60 =	vand.u32 $0x7, v40;
	v48 =	vsel vm6, v7, v8;
	v55 =	vand.u32 $0xFFFFEF98, v63  }
0x252: {  	v59 =	vand.u32 $0xFFFFF798, v46;
	v49 =	vadd.s32 $0x1000, v48;
	v56 =	vor.u32 v4, v55  }
0x253: {  	vm7 =	vle.f32 v61, v21;
	v39 =	vor.u32 v60, v59;
	v61 =	vand.u32 $0xFFFFEF98, v49  }
0x254: {  	v44 =	vor.u32 v4, v61  }
0x255: {  	v41 =	vld.idx.msk [tilespmem:v41+s14+$0x0], $0xffff;
	v50 =	vsel vm7, v7, v8  }
0x256: {  	v42 =	vld.idx.msk [tilespmem:v58+s14+$0x0], $0xffff;
	v51 =	vadd.s32 $0x1000, v50  }
0x257: {  	v52 =	vand.u32 $0xFFFFEF98, v51;
	v37 =	vld.idx.msk [tilespmem:v56+s14+$0x0], $0xffff  }
0x258: {  	v52 =	vor.u32 v4, v52;
	v39 =	vld.idx.msk [tilespmem:v39+s14+$0x0], $0xffff  }
0x259: {  	v62 =	vld.idx.msk [tilespmem:v44+s14+$0x0], $0xffff  }
0x25a: {  	vm8 =	vle.f32 v41, v17  }
0x25b: {  	v35 =	vsel vm8, v38, v35  }
0x25c: {  	v38 =	vadd.s32 $0x400, v35;
	vm10 =	vle.f32 v42, v18;
	vm9 =	vle.f32 v37, v22  }
0x25d: {  	vm11 =	vle.f32 v39, v20;
	v36 =	vsel vm9, v63, v43;
	v63 =	vld.idx.msk [tilespmem:v52+s14+$0x0], $0xffff;
	v43 =	vsel vm10, v47, v45  }
0x25e: {  	vm12 =	vle.f32 v62, v19;
	v41 =	vadd.s32 $0x800, v36;
	v56 =	vand.u32 $0x7, v36  }
0x25f: {  	v47 =	vadd.s32 $0x800, v43;
	v58 =	vand.u32 $0x7, v43;
	v55 =	vand.u32 $0xFFFFF798, v41  }
0x260: {  	v39 =	vsel vm12, v49, v48;
	v57 =	vand.u32 $0xFFFFF798, v47;
	v44 =	vor.u32 v56, v55  }
0x261: {  	v37 =	vsel vm11, v46, v40;
	v46 =	vadd.s32 $0x800, v39;
	v45 =	vor.u32 v58, v57  }
0x262: {  	v59 =	vld.idx.msk [tilespmem:v38+s14+$0x0], $0xffff;
	v61 =	vand.u32 $0x7, v39;
	v60 =	vand.u32 $0xFFFFF798, v46;
	vm13 =	vle.f32 v63, v21  }
0x263: {  	v49 =	vor.u32 v61, v60;
	v48 =	vsel vm13, v51, v50  }
0x264: {  	vm14 =	vle.f32 v34, v16;
	v51 =	vadd.s32 $0x800, v48  }
0x265: {  	v42 =	vadd.s32 $0x400, v37;
	v63 =	vand.u32 $0x7, v48;
	v44 =	vld.idx.msk [tilespmem:v44+s14+$0x0], $0xffff;
	v62 =	vand.u32 $0xFFFFF798, v51  }
0x266: {  	v24 =	vsel vm14, v25, v24;
	v53 =	vld.idx.msk [tilespmem:v45+s14+$0x0], $0xffff;
	v50 =	vor.u32 v63, v62  }
0x267: {  	v25 =	vadd.s32 $0x400, v24;
	vm15 =	vle.f32 v59, v17  }
0x268: {  	v35 =	vsel vm15, v38, v35;
	v56 =	vld.idx.msk [tilespmem:v49+s14+$0x0], $0xffff  }
0x269: {  	v55 =	vadd.s32 $0x200, v35  }
0x26a: {  	v54 =	vld.idx.msk [tilespmem:v42+s14+$0x0], $0xffff;
	vm4 =	vle.f32 v44, v22  }
0x26b: {  	vm5 =	vle.f32 v53, v18;
	v36 =	vsel vm4, v41, v36;
	v57 =	vld.idx.msk [tilespmem:v50+s14+$0x0], $0xffff  }
0x26c: {  	v58 =	vld.idx.msk [tilespmem:v25+s14+$0x0], $0xffff;
	v34 =	vsel vm5, v47, v43;
	v41 =	vadd.s32 $0x400, v36  }
0x26d: {  	v61 =	vld.idx.msk [tilespmem:v33+s14+$0x0], $0xffff;
	vm7 =	vle.f32 v56, v19;
	v47 =	vadd.s32 $0x400, v34  }
0x26e: {  	v59 =	vld.idx.msk [tilespmem:v55+s14+$0x0], $0xffff;
	v39 =	vsel vm7, v46, v39  }
0x26f: {  	vm6 =	vle.f32 v54, v20;
	v46 =	vadd.s32 $0x400, v39  }
0x270: {  	v37 =	vsel vm6, v42, v37;
	vm8 =	vle.f32 v57, v21  }
0x271: {  	vm9 =	vle.f32 v58, v16;
	v42 =	vadd.s32 $0x200, v37;
	v60 =	vld.idx.msk [tilespmem:v41+s14+$0x0], $0xffff;
	v48 =	vsel vm8, v51, v48  }
0x272: {  	v24 =	vsel vm9, v25, v24;
	vm12 =	vle.f32 v61, v15;
	v63 =	vld.idx.msk [tilespmem:v47+s14+$0x0], $0xffff;
	v62 =	vadd.s32 $0x400, v48  }
0x273: {  	v25 =	vadd.s32 $0x200, v24;
	v32 =	vsel vm12, v33, v32;
	vm10 =	vle.f32 v59, v17  }
0x274: {  	v53 =	vadd.s32 $0x80, v32;
	v35 =	vsel vm10, v55, v35;
	v51 =	vld.idx.msk [tilespmem:v46+s14+$0x0], $0xffff  }
0x275: {  	vm13 =	vle.f32 v31, v14;
	v40 =	vadd.s32 $0x100, v35  }
0x276: {  	v29 =	vsel vm13, v30, v29;
	v50 =	vld.idx.msk [tilespmem:v42+s14+$0x0], $0xffff;
	vm11 =	vle.f32 v60, v22  }
0x277: {  	v55 =	vadd.s32 $0x100, v29;
	vm14 =	vle.f32 v63, v18;
	v36 =	vsel vm11, v41, v36;
	v52 =	vld.idx.msk [tilespmem:v62+s14+$0x0], $0xffff  }
0x278: {  	v56 =	vld.idx.msk [tilespmem:v25+s14+$0x0], $0xffff;
	v34 =	vsel vm14, v47, v34;
	v31 =	vadd.s32 $0x200, v36  }
0x279: {  	v59 =	vld.idx.msk [tilespmem:v53+s14+$0x0], $0xffff;
	vm4 =	vle.f32 v51, v19;
	v47 =	vadd.s32 $0x200, v34  }
0x27a: {  	v57 =	vld.idx.msk [tilespmem:v40+s14+$0x0], $0xffff;
	v39 =	vsel vm4, v46, v39  }
0x27b: {  	vm15 =	vle.f32 v50, v20;
	v46 =	vadd.s32 $0x200, v39  }
0x27c: {  	v37 =	vsel vm15, v42, v37;
	v60 =	vld.idx.msk [tilespmem:v55+s14+$0x0], $0xffff;
	vm5 =	vle.f32 v52, v21  }
0x27d: {  	v42 =	vadd.s32 $0x100, v37;
	v58 =	vld.idx.msk [tilespmem:v31+s14+$0x0], $0xffff;
	v48 =	vsel vm5, v62, v48  }
0x27e: {  	vm7 =	vle.f32 v56, v16;
	v61 =	vld.idx.msk [tilespmem:v47+s14+$0x0], $0xffff;
	v49 =	vadd.s32 $0x200, v48  }
0x27f: {  	v54 =	vld.idx.msk [tilespmem:v28+s14+$0x0], $0xffff;
	v24 =	vsel vm7, v25, v24;
	vm10 =	vle.f32 v59, v15;
	vm8 =	vle.f32 v57, v17  }
0x280: {  	v32 =	vsel vm10, v53, v32;
	v25 =	vsel vm8, v40, v35;
	v35 =	vadd.s32 $0x100, v24;
	v50 =	vld.idx.msk [tilespmem:v46+s14+$0x0], $0xffff  }
0x281: {  	vm2 =	vlt.s32 v32, v9;
	v63 =	vadd.s32 $0x80, v25;
	vm11 =	vle.f32 v60, v14  }
0x282: {  	v29 =	vsel vm11, v55, v29;
	v52 =	vsel vm2, v10, v32;
	v62 =	vld.idx.msk [tilespmem:v42+s14+$0x0], $0xffff;
	vm9 =	vle.f32 v58, v22  }
0x283: {  	v32 =	vadd.s32 $0x80, v29;
	vm12 =	vle.f32 v61, v18;
	v31 =	vsel vm9, v31, v36;
	v51 =	vld.idx.msk [tilespmem:v49+s14+$0x0], $0xffff  }
0x284: {  	vm6 =	vle.f32 v54, v13;
	v34 =	vsel vm12, v47, v34;
	v30 =	vadd.s32 $0x100, v31  }
0x285: {  	v26 =	vsel vm6, v28, v26;
	v53 =	vld.idx.msk [tilespmem:v35+s14+$0x0], $0xffff;
	vm15 =	vle.f32 v50, v19;
	v54 =	vadd.s32 $0x100, v34  }
0x286: {  	vm0 =	vlt.s32 v26, v9;
	v56 =	vld.idx.msk [tilespmem:v63+s14+$0x0], $0xffff;
	v39 =	vsel vm15, v46, v39  }
0x287: {  	v26 =	vsel vm0, v10, v26;
	vm14 =	vle.f32 v62, v20;
	v58 =	vadd.s32 $0x100, v39  }
0x288: {  	vm0 =	vlt.s32 v26, v11;
	v59 =	vld.idx.msk [tilespmem:v32+s14+$0x0], $0xffff;
	v37 =	vsel vm14, v42, v37;
	vm4 =	vle.f32 v51, v21  }
0x289: {  	vm13 =	vlt.s32 v52, v11;
	v36 =	vadd.s32 $0x80, v37;
	v57 =	vld.idx.msk [tilespmem:v30+s14+$0x0], $0xffff;
	v45 =	vsel vm4, v49, v48  }
0x28a: {  	v28 =	vadd.s32 $0x20, v52;
	vm5 =	vle.f32 v53, v16;
	v62 =	vld.idx.msk [tilespmem:v54+s14+$0x0], $0xffff;
	v60 =	vadd.s32 $0x100, v45  }
0x28b: {  	v55 =	vsel vm13, v52, v11;
	vm6 =	vle.f32 v56, v17;
	v24 =	vsel vm5, v35, v24  }
0x28c: {  	v43 =	vadd.s32 $0x40, v55;
	v25 =	vsel vm6, v63, v25;
	v63 =	vadd.s32 $0x80, v24;
	v50 =	vld.idx.msk [tilespmem:v58+s14+$0x0], $0xffff  }
0x28d: {  	v61 =	vsel vm0, v26, v11;
	v26 =	vadd.s32 $0x20, v26;
	vm1 =	vlt.s32 v25, v9  }
0x28e: {  	v42 =	vadd.s32 $0x40, v61;
	v25 =	vsel vm1, v10, v25;
	v49 =	vld.idx.msk [tilespmem:v36+s14+$0x0], $0xffff;
	vm7 =	vle.f32 v57, v22  }
0x28f: {  	vm8 =	vle.f32 v59, v14;
	vm10 =	vle.f32 v62, v18;
	v30 =	vsel vm7, v30, v31;
	v52 =	vld.idx.msk [tilespmem:v60+s14+$0x0], $0xffff  }
0x290: {  	vm9 =	vlt.s32 v25, v11;
	v34 =	vsel vm10, v54, v34;
	v51 =	vadd.s32 $0x80, v30  }
0x291: {  	v29 =	vsel vm8, v32, v29;
	v54 =	vld.idx.msk [tilespmem:v63+s14+$0x0], $0xffff;
	vm13 =	vle.f32 v50, v19;
	v55 =	vadd.s32 $0x80, v34  }
0x292: {  	v53 =	vsel vm9, v25, v11;
	v25 =	vadd.s32 $0x20, v25;
	v57 =	vsel vm13, v58, v39  }
0x293: {  	vm11 =	vlt.s32 v29, v9;
	vm14 =	vle.f32 v49, v20;
	v58 =	vadd.s32 $0x80, v57  }
0x294: {  	v27 =	vld.idx.msk [tilespmem:v27+s14+$0x0], $0xffff;
	v32 =	vadd.s32 $0x40, v53;
	v36 =	vsel vm14, v36, v37;
	vm15 =	vle.f32 v52, v21  }
0x295: {  	v29 =	vsel vm11, v10, v29;
	vm4 =	vlt.s32 v36, v9;
	v56 =	vld.idx.msk [tilespmem:v51+s14+$0x0], $0xffff;
	v59 =	vsel vm15, v60, v45  }
0x296: {  	v36 =	vsel vm4, v10, v36;
	vm5 =	vle.f32 v54, v16;
	v61 =	vld.idx.msk [tilespmem:v55+s14+$0x0], $0xffff;
	v45 =	vadd.s32 $0x80, v59  }
0x297: {  	v23 =	vld.idx.msk [tilespmem:v23+s14+$0x0], $0xffff;
	vm12 =	vlt.s32 v29, v11;
	vm0 =	vlt.s32 v36, v11;
	v24 =	vsel vm5, v63, v24  }
0x298: {  	v62 =	vsel vm0, v36, v11;
	v36 =	vadd.s32 $0x20, v36;
	vm1 =	vlt.s32 v24, v9;
	v48 =	vld.idx.msk [tilespmem:v58+s14+$0x0], $0xffff  }
0x299: {  	v28 =	vld.idx.msk [tilespmem:v28+s14+$0x0], $0xffff;
	v60 =	vsel vm12, v29, v11;
	v29 =	vadd.s32 $0x20, v29;
	v24 =	vsel vm1, v10, v24  }
0x29a: {  	v43 =	vld.idx.msk [tilespmem:v43+s14+$0x0], $0xffff;
	v63 =	vadd.s32 $0x40, v62;
	v40 =	vadd.s32 $0x40, v60;
	vm7 =	vlt.s32 v24, v11  }
0x29b: {  	v50 =	vsel vm7, v24, v11;
	vm6 =	vle.f32 v56, v22;
	vm9 =	vle.f32 v61, v18;
	v49 =	vld.idx.msk [tilespmem:v45+s14+$0x0], $0xffff  }
0x29c: {  	v26 =	vld.idx.msk [tilespmem:v26+s14+$0x0], $0xffff;
	v24 =	vadd.s32 $0x20, v24;
	v30 =	vsel vm6, v51, v30;
	v34 =	vsel vm9, v55, v34  }
0x29d: {  	v42 =	vld.idx.msk [tilespmem:v42+s14+$0x0], $0xffff;
	v51 =	vadd.s32 $0x40, v50;
	vm12 =	vle.f32 v48, v19;
	vm8 =	vlt.s32 v30, v9  }
0x29e: {  	v25 =	vld.idx.msk [tilespmem:v25+s14+$0x0], $0xffff;
	vm11 =	vlt.s32 v34, v9;
	v35 =	vsel vm12, v58, v57;
	v30 =	vsel vm8, v10, v30  }
0x29f: {  	v32 =	vld.idx.msk [tilespmem:v32+s14+$0x0], $0xffff;
	v34 =	vsel vm11, v10, v34;
	vm14 =	vlt.s32 v35, v9;
	vm10 =	vlt.s32 v30, v11  }
0x2a0: {  	v36 =	vld.idx.msk [tilespmem:v36+s14+$0x0], $0xffff;
	vm1 =	vlt.s32 v34, v11;
	v35 =	vsel vm14, v10, v35;
	vm13 =	vle.f32 v49, v21  }
0x2a1: {  	v29 =	vld.idx.msk [tilespmem:v29+s14+$0x0], $0xffff;
	v52 =	vsel vm10, v30, v11;
	v30 =	vadd.s32 $0x20, v30;
	v54 =	vsel vm13, v45, v59  }
0x2a2: {  	v31 =	vld.idx.msk [tilespmem:v63+s14+$0x0], $0xffff;
	v55 =	vsel vm1, v34, v11;
	v41 =	vadd.s32 $0x40, v52;
	vm0 =	vlt.s32 v54, v9  }
0x2a3: {  	v53 =	vld.idx.msk [tilespmem:v40+s14+$0x0], $0xffff;
	vm15 =	vlt.s32 v35, v11;
	v39 =	vadd.s32 $0x40, v55;
	v37 =	vsel vm0, v10, v54  }
0x2a4: {  	v24 =	vld.idx.msk [tilespmem:v24+s14+$0x0], $0xffff;
	v34 =	vadd.s32 $0x20, v34;
	v56 =	vsel vm15, v35, v11;
	vm0 =	vlt.s32 v37, v11  }
0x2a5: {  	v38 =	vld.idx.msk [tilespmem:v51+s14+$0x0], $0xffff;
	v40 =	vadd.s32 $0x40, v56;
	v57 =	vsel vm0, v37, v11  }
0x2a6: {  	v12 =	vmul.f32 v27, v12;
	v60 =	vld.idx.msk [tilespmem:v30+s14+$0x0], $0xffff;
	v59 =	vadd.s32 $0x40, v57  }
0x2a7: {  	v42 =	vmul.f32 v42, v13;
	v61 =	vadd.s32 $0x20, v35;
	v41 =	vld.idx.msk [tilespmem:v41+s14+$0x0], $0xffff  }
0x2a8: {  	v12 =	vadd.f32 v12, v23;
	v58 =	vmul.f32 v43, v15;
	v63 =	vld.idx.msk [tilespmem:v39+s14+$0x0], $0xffff;
	v39 =	vadd.s32 $0x20, v37  }
0x2a9: {  	v62 =	vmul.f32 v32, v17;
	v48 =	vadd.f32 v42, v26;
	v44 =	vld.idx.msk [tilespmem:v34+s14+$0x0], $0xffff  }
0x2aa: {  	[tilespmem:s18+$0xFFFFFFF0] =	vst v12;
	v15 =	vadd.f32 v58, v28;
	v46 =	vmul.f32 v31, v20;
	v47 =	vld.idx.msk [tilespmem:v40+s14+$0x0], $0xffff  }
0x2ab: {  	[tilespmem:s19+$0xFFFFFFF0] =	vst v48;
	v49 =	vmul.f32 v53, v14;
	v45 =	vadd.f32 v62, v25;
	v50 =	vld.idx.msk [tilespmem:v59+s14+$0x0], $0xffff  }
0x2ac: {  	[tilespmem:s21+$0x10] =	vst v15;
	v51 =	vadd.f32 v46, v36;
	v53 =	vld.idx.msk [tilespmem:v61+s14+$0x0], $0xffff;
	v55 =	vmul.f32 v38, v16  }
0x2ad: {  	[tilespmem:s22+$0x10] =	vst v45;
	v54 =	vadd.f32 v49, v29;
	v52 =	vmul.f32 v41, v22;
	v56 =	vld.idx.msk [tilespmem:v39+s14+$0x0], $0xffff  }
0x2ae: {  	[tilespmem:s24+$0x10] =	vst v51;
	v58 =	vmul.f32 v63, v18;
	v59 =	vadd.f32 v55, v24  }
0x2af: {  	[tilespmem:s20+$0xFFFFFFF0] =	vst v54;
	v57 =	vadd.f32 v52, v60;
	v60 =	vmul.f32 v47, v19  }
0x2b0: {  	v61 =	vadd.f32 v58, v44;
	[tilespmem:s21+$0xFFFFFFF0] =	vst v59;
	v14 =	vmul.f32 v50, v21  }
0x2b1: {  	[tilespmem:s25+$0x10] =	vst v57;
	v62 =	vadd.f32 v60, v53  }
0x2b2: {  	s17 =	sadd.s32 $0x1, s17;
	[tilespmem:s22+$0xFFFFFFF0] =	vst v61;
	v63 =	vadd.f32 v14, v56  }
0x2b3: {  	p0 =	sne.s32 s17, s7;
	[tilespmem:s24+$0xFFFFFFF0] =	vst v62  }
.Ltmp3:
0x2b4: {  	[tilespmem:s25+$0xFFFFFFF0] =	vst v63;
	(pc) =	sbr.rel @p0 .LBB2_1-.Ltmp3, $4  }
0x2b5: {  	[hbm4b:s6+s8] =	stream.strided.scatter [tilespmem:s15], [sflag:$0x3], $0x1000, s9, s8, $0x38;
	[tilespmem:$0x7900] =	vst v63  }
0x2b6: {  	_ =	swait.ge [sflag:s16], $0x1000  }
0x2b7: {  	[sflag:s16] =	ssyncset.done $0x0  }
0x2b8: {  	[sflag:s16] =	ssyncadd.s32 $0xFFFFF000  }
0x2b9: {  	_ =	sfence.sel $0x180000  }
0x2ba: {  	[bflag:$0x0] =	sbarrier.arrive $0xFFFF  }
0x2bb: {  	p0 =	sne.s32 s1, $0x0;
	_ =	strace $0x90000047  }
0x2bc: {  	s0 =	sadd.s32 @!p0 $0x100000, s0;
	[bflag:$0x2] =	sbarrier.arrive $0xFFFF  }
0x2bd: {  	[sflag:s0] =	ssyncadd.tile.s32 @!p0 $0x1;
	_ =	shalt  }
.Lfunc_end2:
_tile_overlayer_lowered:
.L_overlay_start_2:
0x2be: {  	(tag) =	ssettag $0x2  }
0x2bf: {  	s0 =	rddreg [dreg:$0x0];
	s2 =	stileid.u32  }
0x2c0: {  	s1 =	rddreg [dreg:$0x1];
	p0 =	sne.s32 s2, $0x0  }
0x2c1: {  	s3 =	rddreg [dreg:$0x2];
	[bflag:$0x3] =	sbarrier.arrive $0xFFFF;
	s2 =	simm.s32 @!p0 $0x1C03  }
0x2c2: {  	[timem:s3], [sflag:s2] =	dma.local @!p0 [hbm:s0], s1  }
0x2c3: {  	s0 =	simm.s32 @!p0 $0x3  }
0x2c4: {  	_ =	swait.ge @!p0 [sflag:s0], s1  }
0x2c5: {  	s1 =	ssub.s32 @!p0 $0x0, s1;
	[sflag:s0] =	ssyncset.done @!p0 $0x0  }
0x2c6: {  	[sflag:s0] =	ssyncadd.s32 @!p0 s1  }
0x2c7: {  	[bflag:$0x3] =	sbarrier.arrive $0xFFFF  }
0x2c8: {  	_ =	shalt  }

</sc_bundles>
